<compile_context>
chip_gen: v7x
topology: tpu7x:2x2x1
jax: 0.10.2.dev20260603
libtpu: 0.0.44.dev20260713+nightly
codegen_flags: <defaults>
</compile_context>

<pallas_src>
import jax
import jax.numpy as jnp
from jax import lax
from jax.experimental import pallas as pl
from jax.experimental.pallas import tpu as pltpu
from jax.experimental.pallas import tpu_sc as plsc


_ROWS = 4 * 4096
_K = 128
_C = 2048
_STRIDE = 16
_L = 16
_NC = 2
_NS = 16
_NW = _NC * _NS
_RPW = _ROWS // _NW
_CH = 16
_NB = 2
_NPAIR = _RPW // (_CH * _NB)


def _sc_body(x_hbm, out_hbm, in_v0, in_v1, out_v0, out_v1, sem0, sem1):
    wid = lax.axis_index("s") * _NC + lax.axis_index("c")
    row0 = wid * _RPW
    lanes16 = lax.iota(jnp.int32, _L) * _STRIDE
    in_v = (in_v0, in_v1)
    out_v = (out_v0, out_v1)
    sem = (sem0, sem1)

    zvec = jnp.zeros((_L,), jnp.float32)

    def zero_body(r, _):
        for b in range(_NB):
            for t in range(_C // _L):
                out_v[b][r, pl.ds(t * _L, _L)] = zvec
        return 0
    lax.fori_loop(0, _CH, zero_body, 0)

    def pair_body(g2, _):
        for b in range(_NB):
            g = g2 * _NB + b
            rbase = row0 + g * _CH

            @pl.when(g2 > 0)
            def _():
                pltpu.make_async_copy(
                    out_v[b], out_hbm.at[pl.ds(row0, _CH), :], sem[b]).wait()

            pltpu.sync_copy(x_hbm.at[pl.ds(rbase, _CH), :], in_v[b])

            def scat_body(r, _, b=b):
                rvec = jnp.full((_L,), 0, jnp.int32) + r
                for j in range(_K // _L):
                    vec = in_v[b][r, pl.ds(j * _L, _L)]
                    cvec = j * (_L * _STRIDE) + lanes16
                    plsc.store_scatter(out_v[b], [rvec, cvec], vec)
                return 0
            lax.fori_loop(0, _CH, scat_body, 0)

            pltpu.async_copy(out_v[b], out_hbm.at[pl.ds(rbase, _CH), :],
                             sem[b])
        return 0
    lax.fori_loop(0, _NPAIR, pair_body, 0)

    for b in range(_NB):
        pltpu.make_async_copy(
            out_v[b], out_hbm.at[pl.ds(row0, _CH), :], sem[b]).wait()


@jax.jit
def _sc_upsample(xf):
    mesh = plsc.VectorSubcoreMesh(core_axis_name="c", subcore_axis_name="s")
    fn = pl.kernel(
        _sc_body,
        out_type=jax.ShapeDtypeStruct((_ROWS, _C), jnp.float32),
        mesh=mesh,
        scratch_types=[
            pltpu.VMEM((_CH, _K), jnp.float32),
            pltpu.VMEM((_CH, _K), jnp.float32),
            pltpu.VMEM((_CH, _C), jnp.float32),
            pltpu.VMEM((_CH, _C), jnp.float32),
            pltpu.SemaphoreType.DMA,
            pltpu.SemaphoreType.DMA,
        ],
        compiler_params=pltpu.CompilerParams(
            needs_layout_passes=False,
            use_tc_tiling_on_sc=True,
        ),
    )
    return fn(xf)


def kernel(x, attention_output):
    del attention_output
    xf = x.reshape(_ROWS, _K)
    return _sc_upsample(xf).reshape(4, 4096, _C)

# --- scband reference (transcript-rebuilt; emitter-appended) ---
"""Pipeline reference for scband-up-sample-output-42185168781471 (READ-ONLY COPY).

The authoritative reference and input builder live on the scoring server;
editing this copy changes nothing except your own understanding.
"""

import jax, jax.numpy as jnp
import numpy as np


def setup_inputs(seed: int = 0) -> dict:
    key = jax.random.key(seed)
    k1, k2 = jax.random.split(key)
    x = jax.random.normal(k1, (4, 4096, 128), dtype=jnp.float32)
    attention_output = jax.random.normal(k2, (4, 4096, 2048), dtype=jnp.float32)
    return {"x": x, "attention_output": attention_output}


def reference(x, attention_output):
    # idx is a constant __init__ arg: 128 strided channel positions in [0, 2048)
    idx = jnp.arange(0, 2048, 16)
    # upsampled_output = torch.zeros(attention_output.shape)
    upsampled_output = jnp.zeros(attention_output.shape, dtype=jnp.float32)
    # upsampled_output[:, :, idx] = x.float()  -> scatter-overwrite along last dim
    upsampled_output = upsampled_output.at[:, :, idx].set(x.astype(jnp.float32))
    return upsampled_output

if __name__ == "__main__":
    import jax
    _d = setup_inputs()
    print(jax.jit(kernel)(*tuple(_d.values())))

</pallas_src>

<mosaic_0001>
#map = affine_map<(d0, d1) -> (0, 0)>
module attributes {stable_mosaic.version = 14 : i64} {
  func.func @_sc_body(%arg0: i32, %arg1: i32, %arg2: memref<16384x128xf32, #tpu.memory_space<hbm>>, %arg3: memref<16384x2048xf32, #tpu.memory_space<hbm>>, %arg4: memref<16x128xf32, #tpu.memory_space<vmem>>, %arg5: memref<16x128xf32, #tpu.memory_space<vmem>>, %arg6: memref<16x2048xf32, #tpu.memory_space<vmem>>, %arg7: memref<16x2048xf32, #tpu.memory_space<vmem>>, %arg8: memref<!tpu.dma_semaphore, #tpu.memory_space<semaphore_mem>>, %arg9: memref<!tpu.dma_semaphore, #tpu.memory_space<semaphore_mem>>) attributes {dimension_semantics = [#tpu.dimension_semantics<core_parallel>, #tpu.dimension_semantics<subcore_parallel>], iteration_bounds = array<i64: 2, 16>, scalar_prefetch = 0 : i64, scratch_operands = 6 : i64, tpu.core_type = #tpu.core_type<sc_vector_subcore>, window_params = [{transform_indices = #map}, {transform_indices = #map}]} {
    %mul3A = arith.constant 2 : i32
    %mul3A_0 = arith.muli %arg1, %mul3A : i32
    %add3A = arith.addi %mul3A_0, %arg0 : i32
    %mul3A_1 = arith.constant 512 : i32
    %mul3A_2 = arith.muli %add3A, %mul3A_1 : i32
    %iota3A = tpu.iota {dimensions = array<i32: 0>} : vector<16xi32>
    %mul3A_3 = arith.constant 16 : i32
    %mul3A_4 = vector.broadcast %mul3A_3 : i32 to vector<16xi32>
    %mul3A_5 = arith.muli %iota3A, %mul3A_4 : vector<16xi32>
    %broadcast_in_dim3A = arith.constant 0.000000e+00 : f32
    %broadcast_in_dim3A_6 = vector.broadcast %broadcast_in_dim3A : f32 to vector<16xf32>
    %scan3A = arith.constant 0 : i32
    %scan3A_7 = arith.constant 0 : i32
    %scan3A_8 = arith.constant 16 : i32
    %scan3A_9 = arith.addi %scan3A_7, %scan3A_8 : i32
    %scan3A_10 = arith.constant 1 : i32
    %scan3A_11 = scf.for %scan3A_27 = %scan3A_7 to %scan3A_9 step %scan3A_10 iter_args(%scan3A_28 = %scan3A) -> (i32)  : i32 {
      %swap3A = arith.index_cast %scan3A_27 : i32 to index
      %swap3A_29 = arith.constant 0 : index
      %swap3A_30 = tpu.vector_load %arg6[%swap3A, %swap3A_29] {strides = array<i32>} : memref<16x2048xf32, #tpu.memory_space<vmem>>, vector<16xf32>,
      tpu.vector_store %arg6[%swap3A, %swap3A_29], %broadcast_in_dim3A_6 {strides = array<i32>} : memref<16x2048xf32, #tpu.memory_space<vmem>>, vector<16xf32>,
      %swap3A_31 = arith.index_cast %scan3A_27 : i32 to index
      %swap3A_32 = arith.constant 16 : index
      %swap3A_33 = tpu.vector_load %arg6[%swap3A_31, %swap3A_32] {strides = array<i32>} : memref<16x2048xf32, #tpu.memory_space<vmem>>, vector<16xf32>,
      tpu.vector_store %arg6[%swap3A_31, %swap3A_32], %broadcast_in_dim3A_6 {strides = array<i32>} : memref<16x2048xf32, #tpu.memory_space<vmem>>, vector<16xf32>,
      %swap3A_34 = arith.index_cast %scan3A_27 : i32 to index
      %swap3A_35 = arith.constant 32 : index
      %swap3A_36 = tpu.vector_load %arg6[%swap3A_34, %swap3A_35] {strides = array<i32>} : memref<16x2048xf32, #tpu.memory_space<vmem>>, vector<16xf32>,
      tpu.vector_store %arg6[%swap3A_34, %swap3A_35], %broadcast_in_dim3A_6 {strides = array<i32>} : memref<16x2048xf32, #tpu.memory_space<vmem>>, vector<16xf32>,
      %swap3A_37 = arith.index_cast %scan3A_27 : i32 to index
      %swap3A_38 = arith.constant 48 : index
      %swap3A_39 = tpu.vector_load %arg6[%swap3A_37, %swap3A_38] {strides = array<i32>} : memref<16x2048xf32, #tpu.memory_space<vmem>>, vector<16xf32>,
      tpu.vector_store %arg6[%swap3A_37, %swap3A_38], %broadcast_in_dim3A_6 {strides = array<i32>} : memref<16x2048xf32, #tpu.memory_space<vmem>>, vector<16xf32>,
      %swap3A_40 = arith.index_cast %scan3A_27 : i32 to index
      %swap3A_41 = arith.constant 64 : index
      %swap3A_42 = tpu.vector_load %arg6[%swap3A_40, %swap3A_41] {strides = array<i32>} : memref<16x2048xf32, #tpu.memory_space<vmem>>, vector<16xf32>,
      tpu.vector_store %arg6[%swap3A_40, %swap3A_41], %broadcast_in_dim3A_6 {strides = array<i32>} : memref<16x2048xf32, #tpu.memory_space<vmem>>, vector<16xf32>,
      %swap3A_43 = arith.index_cast %scan3A_27 : i32 to index
      %swap3A_44 = arith.constant 80 : index
      %swap3A_45 = tpu.vector_load %arg6[%swap3A_43, %swap3A_44] {strides = array<i32>} : memref<16x2048xf32, #tpu.memory_space<vmem>>, vector<16xf32>,
      tpu.vector_store %arg6[%swap3A_43, %swap3A_44], %broadcast_in_dim3A_6 {strides = array<i32>} : memref<16x2048xf32, #tpu.memory_space<vmem>>, vector<16xf32>,
      %swap3A_46 = arith.index_cast %scan3A_27 : i32 to index
      %swap3A_47 = arith.constant 96 : index
      %swap3A_48 = tpu.vector_load %arg6[%swap3A_46, %swap3A_47] {strides = array<i32>} : memref<16x2048xf32, #tpu.memory_space<vmem>>, vector<16xf32>,
      tpu.vector_store %arg6[%swap3A_46, %swap3A_47], %broadcast_in_dim3A_6 {strides = array<i32>} : memref<16x2048xf32, #tpu.memory_space<vmem>>, vector<16xf32>,
      %swap3A_49 = arith.index_cast %scan3A_27 : i32 to index
      %swap3A_50 = arith.constant 112 : index
      %swap3A_51 = tpu.vector_load %arg6[%swap3A_49, %swap3A_50] {strides = array<i32>} : memref<16x2048xf32, #tpu.memory_space<vmem>>, vector<16xf32>,
      tpu.vector_store %arg6[%swap3A_49, %swap3A_50], %broadcast_in_dim3A_6 {strides = array<i32>} : memref<16x2048xf32, #tpu.memory_space<vmem>>, vector<16xf32>,
      %swap3A_52 = arith.index_cast %scan3A_27 : i32 to index
      %swap3A_53 = arith.constant 128 : index
      %swap3A_54 = tpu.vector_load %arg6[%swap3A_52, %swap3A_53] {strides = array<i32>} : memref<16x2048xf32, #tpu.memory_space<vmem>>, vector<16xf32>,
      tpu.vector_store %arg6[%swap3A_52, %swap3A_53], %broadcast_in_dim3A_6 {strides = array<i32>} : memref<16x2048xf32, #tpu.memory_space<vmem>>, vector<16xf32>,
      %swap3A_55 = arith.index_cast %scan3A_27 : i32 to index
      %swap3A_56 = arith.constant 144 : index
      %swap3A_57 = tpu.vector_load %arg6[%swap3A_55, %swap3A_56] {strides = array<i32>} : memref<16x2048xf32, #tpu.memory_space<vmem>>, vector<16xf32>,
      tpu.vector_store %arg6[%swap3A_55, %swap3A_56], %broadcast_in_dim3A_6 {strides = array<i32>} : memref<16x2048xf32, #tpu.memory_space<vmem>>, vector<16xf32>,
      %swap3A_58 = arith.index_cast %scan3A_27 : i32 to index
      %swap3A_59 = arith.constant 160 : index
      %swap3A_60 = tpu.vector_load %arg6[%swap3A_58, %swap3A_59] {strides = array<i32>} : memref<16x2048xf32, #tpu.memory_space<vmem>>, vector<16xf32>,
      tpu.vector_store %arg6[%swap3A_58, %swap3A_59], %broadcast_in_dim3A_6 {strides = array<i32>} : memref<16x2048xf32, #tpu.memory_space<vmem>>, vector<16xf32>,
      %swap3A_61 = arith.index_cast %scan3A_27 : i32 to index
      %swap3A_62 = arith.constant 176 : index
      %swap3A_63 = tpu.vector_load %arg6[%swap3A_61, %swap3A_62] {strides = array<i32>} : memref<16x2048xf32, #tpu.memory_space<vmem>>, vector<16xf32>,
      tpu.vector_store %arg6[%swap3A_61, %swap3A_62], %broadcast_in_dim3A_6 {strides = array<i32>} : memref<16x2048xf32, #tpu.memory_space<vmem>>, vector<16xf32>,
      %swap3A_64 = arith.index_cast %scan3A_27 : i32 to index
      %swap3A_65 = arith.constant 192 : index
      %swap3A_66 = tpu.vector_load %arg6[%swap3A_64, %swap3A_65] {strides = array<i32>} : memref<16x2048xf32, #tpu.memory_space<vmem>>, vector<16xf32>,
      tpu.vector_store %arg6[%swap3A_64, %swap3A_65], %broadcast_in_dim3A_6 {strides = array<i32>} : memref<16x2048xf32, #tpu.memory_space<vmem>>, vector<16xf32>,
      %swap3A_67 = arith.index_cast %scan3A_27 : i32 to index
      %swap3A_68 = arith.constant 208 : index
      %swap3A_69 = tpu.vector_load %arg6[%swap3A_67, %swap3A_68] {strides = array<i32>} : memref<16x2048xf32, #tpu.memory_space<vmem>>, vector<16xf32>,
      tpu.vector_store %arg6[%swap3A_67, %swap3A_68], %broadcast_in_dim3A_6 {strides = array<i32>} : memref<16x2048xf32, #tpu.memory_space<vmem>>, vector<16xf32>,
      %swap3A_70 = arith.index_cast %scan3A_27 : i32 to index
      %swap3A_71 = arith.constant 224 : index
      %swap3A_72 = tpu.vector_load %arg6[%swap3A_70, %swap3A_71] {strides = array<i32>} : memref<16x2048xf32, #tpu.memory_space<vmem>>, vector<16xf32>,
      tpu.vector_store %arg6[%swap3A_70, %swap3A_71], %broadcast_in_dim3A_6 {strides = array<i32>} : memref<16x2048xf32, #tpu.memory_space<vmem>>, vector<16xf32>,
      %swap3A_73 = arith.index_cast %scan3A_27 : i32 to index
      %swap3A_74 = arith.constant 240 : index
      %swap3A_75 = tpu.vector_load %arg6[%swap3A_73, %swap3A_74] {strides = array<i32>} : memref<16x2048xf32, #tpu.memory_space<vmem>>, vector<16xf32>,
      tpu.vector_store %arg6[%swap3A_73, %swap3A_74], %broadcast_in_dim3A_6 {strides = array<i32>} : memref<16x2048xf32, #tpu.memory_space<vmem>>, vector<16xf32>,
      %swap3A_76 = arith.index_cast %scan3A_27 : i32 to index
      %swap3A_77 = arith.constant 256 : index
      %swap3A_78 = tpu.vector_load %arg6[%swap3A_76, %swap3A_77] {strides = array<i32>} : memref<16x2048xf32, #tpu.memory_space<vmem>>, vector<16xf32>,
      tpu.vector_store %arg6[%swap3A_76, %swap3A_77], %broadcast_in_dim3A_6 {strides = array<i32>} : memref<16x2048xf32, #tpu.memory_space<vmem>>, vector<16xf32>,
      %swap3A_79 = arith.index_cast %scan3A_27 : i32 to index
      %swap3A_80 = arith.constant 272 : index
      %swap3A_81 = tpu.vector_load %arg6[%swap3A_79, %swap3A_80] {strides = array<i32>} : memref<16x2048xf32, #tpu.memory_space<vmem>>, vector<16xf32>,
      tpu.vector_store %arg6[%swap3A_79, %swap3A_80], %broadcast_in_dim3A_6 {strides = array<i32>} : memref<16x2048xf32, #tpu.memory_space<vmem>>, vector<16xf32>,
      %swap3A_82 = arith.index_cast %scan3A_27 : i32 to index
      %swap3A_83 = arith.constant 288 : index
      %swap3A_84 = tpu.vector_load %arg6[%swap3A_82, %swap3A_83] {strides = array<i32>} : memref<16x2048xf32, #tpu.memory_space<vmem>>, vector<16xf32>,
      tpu.vector_store %arg6[%swap3A_82, %swap3A_83], %broadcast_in_dim3A_6 {strides = array<i32>} : memref<16x2048xf32, #tpu.memory_space<vmem>>, vector<16xf32>,
      %swap3A_85 = arith.index_cast %scan3A_27 : i32 to index
      %swap3A_86 = arith.constant 304 : index
      %swap3A_87 = tpu.vector_load %arg6[%swap3A_85, %swap3A_86] {strides = array<i32>} : memref<16x2048xf32, #tpu.memory_space<vmem>>, vector<16xf32>,
      tpu.vector_store %arg6[%swap3A_85, %swap3A_86], %broadcast_in_dim3A_6 {strides = array<i32>} : memref<16x2048xf32, #tpu.memory_space<vmem>>, vector<16xf32>,
      %swap3A_88 = arith.index_cast %scan3A_27 : i32 to index
      %swap3A_89 = arith.constant 320 : index
      %swap3A_90 = tpu.vector_load %arg6[%swap3A_88, %swap3A_89] {strides = array<i32>} : memref<16x2048xf32, #tpu.memory_space<vmem>>, vector<16xf32>,
      tpu.vector_store %arg6[%swap3A_88, %swap3A_89], %broadcast_in_dim3A_6 {strides = array<i32>} : memref<16x2048xf32, #tpu.memory_space<vmem>>, vector<16xf32>,
      %swap3A_91 = arith.index_cast %scan3A_27 : i32 to index
      %swap3A_92 = arith.constant 336 : index
      %swap3A_93 = tpu.vector_load %arg6[%swap3A_91, %swap3A_92] {strides = array<i32>} : memref<16x2048xf32, #tpu.memory_space<vmem>>, vector<16xf32>,
      tpu.vector_store %arg6[%swap3A_91, %swap3A_92], %broadcast_in_dim3A_6 {strides = array<i32>} : memref<16x2048xf32, #tpu.memory_space<vmem>>, vector<16xf32>,
      %swap3A_94 = arith.index_cast %scan3A_27 : i32 to index
      %swap3A_95 = arith.constant 352 : index
      %swap3A_96 = tpu.vector_load %arg6[%swap3A_94, %swap3A_95] {strides = array<i32>} : memref<16x2048xf32, #tpu.memory_space<vmem>>, vector<16xf32>,
      tpu.vector_store %arg6[%swap3A_94, %swap3A_95], %broadcast_in_dim3A_6 {strides = array<i32>} : memref<16x2048xf32, #tpu.memory_space<vmem>>, vector<16xf32>,
      %swap3A_97 = arith.index_cast %scan3A_27 : i32 to index
      %swap3A_98 = arith.constant 368 : index
      %swap3A_99 = tpu.vector_load %arg6[%swap3A_97, %swap3A_98] {strides = array<i32>} : memref<16x2048xf32, #tpu.memory_space<vmem>>, vector<16xf32>,
      tpu.vector_store %arg6[%swap3A_97, %swap3A_98], %broadcast_in_dim3A_6 {strides = array<i32>} : memref<16x2048xf32, #tpu.memory_space<vmem>>, vector<16xf32>,
      %swap3A_100 = arith.index_cast %scan3A_27 : i32 to index
      %swap3A_101 = arith.constant 384 : index
      %swap3A_102 = tpu.vector_load %arg6[%swap3A_100, %swap3A_101] {strides = array<i32>} : memref<16x2048xf32, #tpu.memory_space<vmem>>, vector<16xf32>,
      tpu.vector_store %arg6[%swap3A_100, %swap3A_101], %broadcast_in_dim3A_6 {strides = array<i32>} : memref<16x2048xf32, #tpu.memory_space<vmem>>, vector<16xf32>,
      %swap3A_103 = arith.index_cast %scan3A_27 : i32 to index
      %swap3A_104 = arith.constant 400 : index
      %swap3A_105 = tpu.vector_load %arg6[%swap3A_103, %swap3A_104] {strides = array<i32>} : memref<16x2048xf32, #tpu.memory_space<vmem>>, vector<16xf32>,
      tpu.vector_store %arg6[%swap3A_103, %swap3A_104], %broadcast_in_dim3A_6 {strides = array<i32>} : memref<16x2048xf32, #tpu.memory_space<vmem>>, vector<16xf32>,
      %swap3A_106 = arith.index_cast %scan3A_27 : i32 to index
      %swap3A_107 = arith.constant 416 : index
      %swap3A_108 = tpu.vector_load %arg6[%swap3A_106, %swap3A_107] {strides = array<i32>} : memref<16x2048xf32, #tpu.memory_space<vmem>>, vector<16xf32>,
      tpu.vector_store %arg6[%swap3A_106, %swap3A_107], %broadcast_in_dim3A_6 {strides = array<i32>} : memref<16x2048xf32, #tpu.memory_space<vmem>>, vector<16xf32>,
      %swap3A_109 = arith.index_cast %scan3A_27 : i32 to index
      %swap3A_110 = arith.constant 432 : index
      %swap3A_111 = tpu.vector_load %arg6[%swap3A_109, %swap3A_110] {strides = array<i32>} : memref<16x2048xf32, #tpu.memory_space<vmem>>, vector<16xf32>,
      tpu.vector_store %arg6[%swap3A_109, %swap3A_110], %broadcast_in_dim3A_6 {strides = array<i32>} : memref<16x2048xf32, #tpu.memory_space<vmem>>, vector<16xf32>,
      %swap3A_112 = arith.index_cast %scan3A_27 : i32 to index
      %swap3A_113 = arith.constant 448 : index
      %swap3A_114 = tpu.vector_load %arg6[%swap3A_112, %swap3A_113] {strides = array<i32>} : memref<16x2048xf32, #tpu.memory_space<vmem>>, vector<16xf32>,
      tpu.vector_store %arg6[%swap3A_112, %swap3A_113], %broadcast_in_dim3A_6 {strides = array<i32>} : memref<16x2048xf32, #tpu.memory_space<vmem>>, vector<16xf32>,
      %swap3A_115 = arith.index_cast %scan3A_27 : i32 to index
      %swap3A_116 = arith.constant 464 : index
      %swap3A_117 = tpu.vector_load %arg6[%swap3A_115, %swap3A_116] {strides = array<i32>} : memref<16x2048xf32, #tpu.memory_space<vmem>>, vector<16xf32>,
      tpu.vector_store %arg6[%swap3A_115, %swap3A_116], %broadcast_in_dim3A_6 {strides = array<i32>} : memref<16x2048xf32, #tpu.memory_space<vmem>>, vector<16xf32>,
      %swap3A_118 = arith.index_cast %scan3A_27 : i32 to index
      %swap3A_119 = arith.constant 480 : index
      %swap3A_120 = tpu.vector_load %arg6[%swap3A_118, %swap3A_119] {strides = array<i32>} : memref<16x2048xf32, #tpu.memory_space<vmem>>, vector<16xf32>,
      tpu.vector_store %arg6[%swap3A_118, %swap3A_119], %broadcast_in_dim3A_6 {strides = array<i32>} : memref<16x2048xf32, #tpu.memory_space<vmem>>, vector<16xf32>,
      %swap3A_121 = arith.index_cast %scan3A_27 : i32 to index
      %swap3A_122 = arith.constant 496 : index
      %swap3A_123 = tpu.vector_load %arg6[%swap3A_121, %swap3A_122] {strides = array<i32>} : memref<16x2048xf32, #tpu.memory_space<vmem>>, vector<16xf32>,
      tpu.vector_store %arg6[%swap3A_121, %swap3A_122], %broadcast_in_dim3A_6 {strides = array<i32>} : memref<16x2048xf32, #tpu.memory_space<vmem>>, vector<16xf32>,
      %swap3A_124 = arith.index_cast %scan3A_27 : i32 to index
      %swap3A_125 = arith.constant 512 : index
      %swap3A_126 = tpu.vector_load %arg6[%swap3A_124, %swap3A_125] {strides = array<i32>} : memref<16x2048xf32, #tpu.memory_space<vmem>>, vector<16xf32>,
      tpu.vector_store %arg6[%swap3A_124, %swap3A_125], %broadcast_in_dim3A_6 {strides = array<i32>} : memref<16x2048xf32, #tpu.memory_space<vmem>>, vector<16xf32>,
      %swap3A_127 = arith.index_cast %scan3A_27 : i32 to index
      %swap3A_128 = arith.constant 528 : index
      %swap3A_129 = tpu.vector_load %arg6[%swap3A_127, %swap3A_128] {strides = array<i32>} : memref<16x2048xf32, #tpu.memory_space<vmem>>, vector<16xf32>,
      tpu.vector_store %arg6[%swap3A_127, %swap3A_128], %broadcast_in_dim3A_6 {strides = array<i32>} : memref<16x2048xf32, #tpu.memory_space<vmem>>, vector<16xf32>,
      %swap3A_130 = arith.index_cast %scan3A_27 : i32 to index
      %swap3A_131 = arith.constant 544 : index
      %swap3A_132 = tpu.vector_load %arg6[%swap3A_130, %swap3A_131] {strides = array<i32>} : memref<16x2048xf32, #tpu.memory_space<vmem>>, vector<16xf32>,
      tpu.vector_store %arg6[%swap3A_130, %swap3A_131], %broadcast_in_dim3A_6 {strides = array<i32>} : memref<16x2048xf32, #tpu.memory_space<vmem>>, vector<16xf32>,
      %swap3A_133 = arith.index_cast %scan3A_27 : i32 to index
      %swap3A_134 = arith.constant 560 : index
      %swap3A_135 = tpu.vector_load %arg6[%swap3A_133, %swap3A_134] {strides = array<i32>} : memref<16x2048xf32, #tpu.memory_space<vmem>>, vector<16xf32>,
      tpu.vector_store %arg6[%swap3A_133, %swap3A_134], %broadcast_in_dim3A_6 {strides = array<i32>} : memref<16x2048xf32, #tpu.memory_space<vmem>>, vector<16xf32>,
      %swap3A_136 = arith.index_cast %scan3A_27 : i32 to index
      %swap3A_137 = arith.constant 576 : index
      %swap3A_138 = tpu.vector_load %arg6[%swap3A_136, %swap3A_137] {strides = array<i32>} : memref<16x2048xf32, #tpu.memory_space<vmem>>, vector<16xf32>,
      tpu.vector_store %arg6[%swap3A_136, %swap3A_137], %broadcast_in_dim3A_6 {strides = array<i32>} : memref<16x2048xf32, #tpu.memory_space<vmem>>, vector<16xf32>,
      %swap3A_139 = arith.index_cast %scan3A_27 : i32 to index
      %swap3A_140 = arith.constant 592 : index
      %swap3A_141 = tpu.vector_load %arg6[%swap3A_139, %swap3A_140] {strides = array<i32>} : memref<16x2048xf32, #tpu.memory_space<vmem>>, vector<16xf32>,
      tpu.vector_store %arg6[%swap3A_139, %swap3A_140], %broadcast_in_dim3A_6 {strides = array<i32>} : memref<16x2048xf32, #tpu.memory_space<vmem>>, vector<16xf32>,
      %swap3A_142 = arith.index_cast %scan3A_27 : i32 to index
      %swap3A_143 = arith.constant 608 : index
      %swap3A_144 = tpu.vector_load %arg6[%swap3A_142, %swap3A_143] {strides = array<i32>} : memref<16x2048xf32, #tpu.memory_space<vmem>>, vector<16xf32>,
      tpu.vector_store %arg6[%swap3A_142, %swap3A_143], %broadcast_in_dim3A_6 {strides = array<i32>} : memref<16x2048xf32, #tpu.memory_space<vmem>>, vector<16xf32>,
      %swap3A_145 = arith.index_cast %scan3A_27 : i32 to index
      %swap3A_146 = arith.constant 624 : index
      %swap3A_147 = tpu.vector_load %arg6[%swap3A_145, %swap3A_146] {strides = array<i32>} : memref<16x2048xf32, #tpu.memory_space<vmem>>, vector<16xf32>,
      tpu.vector_store %arg6[%swap3A_145, %swap3A_146], %broadcast_in_dim3A_6 {strides = array<i32>} : memref<16x2048xf32, #tpu.memory_space<vmem>>, vector<16xf32>,
      %swap3A_148 = arith.index_cast %scan3A_27 : i32 to index
      %swap3A_149 = arith.constant 640 : index
      %swap3A_150 = tpu.vector_load %arg6[%swap3A_148, %swap3A_149] {strides = array<i32>} : memref<16x2048xf32, #tpu.memory_space<vmem>>, vector<16xf32>,
      tpu.vector_store %arg6[%swap3A_148, %swap3A_149], %broadcast_in_dim3A_6 {strides = array<i32>} : memref<16x2048xf32, #tpu.memory_space<vmem>>, vector<16xf32>,
      %swap3A_151 = arith.index_cast %scan3A_27 : i32 to index
      %swap3A_152 = arith.constant 656 : index
      %swap3A_153 = tpu.vector_load %arg6[%swap3A_151, %swap3A_152] {strides = array<i32>} : memref<16x2048xf32, #tpu.memory_space<vmem>>, vector<16xf32>,
      tpu.vector_store %arg6[%swap3A_151, %swap3A_152], %broadcast_in_dim3A_6 {strides = array<i32>} : memref<16x2048xf32, #tpu.memory_space<vmem>>, vector<16xf32>,
      %swap3A_154 = arith.index_cast %scan3A_27 : i32 to index
      %swap3A_155 = arith.constant 672 : index
      %swap3A_156 = tpu.vector_load %arg6[%swap3A_154, %swap3A_155] {strides = array<i32>} : memref<16x2048xf32, #tpu.memory_space<vmem>>, vector<16xf32>,
      tpu.vector_store %arg6[%swap3A_154, %swap3A_155], %broadcast_in_dim3A_6 {strides = array<i32>} : memref<16x2048xf32, #tpu.memory_space<vmem>>, vector<16xf32>,
      %swap3A_157 = arith.index_cast %scan3A_27 : i32 to index
      %swap3A_158 = arith.constant 688 : index
      %swap3A_159 = tpu.vector_load %arg6[%swap3A_157, %swap3A_158] {strides = array<i32>} : memref<16x2048xf32, #tpu.memory_space<vmem>>, vector<16xf32>,
      tpu.vector_store %arg6[%swap3A_157, %swap3A_158], %broadcast_in_dim3A_6 {strides = array<i32>} : memref<16x2048xf32, #tpu.memory_space<vmem>>, vector<16xf32>,
      %swap3A_160 = arith.index_cast %scan3A_27 : i32 to index
      %swap3A_161 = arith.constant 704 : index
      %swap3A_162 = tpu.vector_load %arg6[%swap3A_160, %swap3A_161] {strides = array<i32>} : memref<16x2048xf32, #tpu.memory_space<vmem>>, vector<16xf32>,
      tpu.vector_store %arg6[%swap3A_160, %swap3A_161], %broadcast_in_dim3A_6 {strides = array<i32>} : memref<16x2048xf32, #tpu.memory_space<vmem>>, vector<16xf32>,
      %swap3A_163 = arith.index_cast %scan3A_27 : i32 to index
      %swap3A_164 = arith.constant 720 : index
      %swap3A_165 = tpu.vector_load %arg6[%swap3A_163, %swap3A_164] {strides = array<i32>} : memref<16x2048xf32, #tpu.memory_space<vmem>>, vector<16xf32>,
      tpu.vector_store %arg6[%swap3A_163, %swap3A_164], %broadcast_in_dim3A_6 {strides = array<i32>} : memref<16x2048xf32, #tpu.memory_space<vmem>>, vector<16xf32>,
      %swap3A_166 = arith.index_cast %scan3A_27 : i32 to index
      %swap3A_167 = arith.constant 736 : index
      %swap3A_168 = tpu.vector_load %arg6[%swap3A_166, %swap3A_167] {strides = array<i32>} : memref<16x2048xf32, #tpu.memory_space<vmem>>, vector<16xf32>,
      tpu.vector_store %arg6[%swap3A_166, %swap3A_167], %broadcast_in_dim3A_6 {strides = array<i32>} : memref<16x2048xf32, #tpu.memory_space<vmem>>, vector<16xf32>,
      %swap3A_169 = arith.index_cast %scan3A_27 : i32 to index
      %swap3A_170 = arith.constant 752 : index
      %swap3A_171 = tpu.vector_load %arg6[%swap3A_169, %swap3A_170] {strides = array<i32>} : memref<16x2048xf32, #tpu.memory_space<vmem>>, vector<16xf32>,
      tpu.vector_store %arg6[%swap3A_169, %swap3A_170], %broadcast_in_dim3A_6 {strides = array<i32>} : memref<16x2048xf32, #tpu.memory_space<vmem>>, vector<16xf32>,
      %swap3A_172 = arith.index_cast %scan3A_27 : i32 to index
      %swap3A_173 = arith.constant 768 : index
      %swap3A_174 = tpu.vector_load %arg6[%swap3A_172, %swap3A_173] {strides = array<i32>} : memref<16x2048xf32, #tpu.memory_space<vmem>>, vector<16xf32>,
      tpu.vector_store %arg6[%swap3A_172, %swap3A_173], %broadcast_in_dim3A_6 {strides = array<i32>} : memref<16x2048xf32, #tpu.memory_space<vmem>>, vector<16xf32>,
      %swap3A_175 = arith.index_cast %scan3A_27 : i32 to index
      %swap3A_176 = arith.constant 784 : index
      %swap3A_177 = tpu.vector_load %arg6[%swap3A_175, %swap3A_176] {strides = array<i32>} : memref<16x2048xf32, #tpu.memory_space<vmem>>, vector<16xf32>,
      tpu.vector_store %arg6[%swap3A_175, %swap3A_176], %broadcast_in_dim3A_6 {strides = array<i32>} : memref<16x2048xf32, #tpu.memory_space<vmem>>, vector<16xf32>,
      %swap3A_178 = arith.index_cast %scan3A_27 : i32 to index
      %swap3A_179 = arith.constant 800 : index
      %swap3A_180 = tpu.vector_load %arg6[%swap3A_178, %swap3A_179] {strides = array<i32>} : memref<16x2048xf32, #tpu.memory_space<vmem>>, vector<16xf32>,
      tpu.vector_store %arg6[%swap3A_178, %swap3A_179], %broadcast_in_dim3A_6 {strides = array<i32>} : memref<16x2048xf32, #tpu.memory_space<vmem>>, vector<16xf32>,
      %swap3A_181 = arith.index_cast %scan3A_27 : i32 to index
      %swap3A_182 = arith.constant 816 : index
      %swap3A_183 = tpu.vector_load %arg6[%swap3A_181, %swap3A_182] {strides = array<i32>} : memref<16x2048xf32, #tpu.memory_space<vmem>>, vector<16xf32>,
      tpu.vector_store %arg6[%swap3A_181, %swap3A_182], %broadcast_in_dim3A_6 {strides = array<i32>} : memref<16x2048xf32, #tpu.memory_space<vmem>>, vector<16xf32>,
      %swap3A_184 = arith.index_cast %scan3A_27 : i32 to index
      %swap3A_185 = arith.constant 832 : index
      %swap3A_186 = tpu.vector_load %arg6[%swap3A_184, %swap3A_185] {strides = array<i32>} : memref<16x2048xf32, #tpu.memory_space<vmem>>, vector<16xf32>,
      tpu.vector_store %arg6[%swap3A_184, %swap3A_185], %broadcast_in_dim3A_6 {strides = array<i32>} : memref<16x2048xf32, #tpu.memory_space<vmem>>, vector<16xf32>,
      %swap3A_187 = arith.index_cast %scan3A_27 : i32 to index
      %swap3A_188 = arith.constant 848 : index
      %swap3A_189 = tpu.vector_load %arg6[%swap3A_187, %swap3A_188] {strides = array<i32>} : memref<16x2048xf32, #tpu.memory_space<vmem>>, vector<16xf32>,
      tpu.vector_store %arg6[%swap3A_187, %swap3A_188], %broadcast_in_dim3A_6 {strides = array<i32>} : memref<16x2048xf32, #tpu.memory_space<vmem>>, vector<16xf32>,
      %swap3A_190 = arith.index_cast %scan3A_27 : i32 to index
      %swap3A_191 = arith.constant 864 : index
      %swap3A_192 = tpu.vector_load %arg6[%swap3A_190, %swap3A_191] {strides = array<i32>} : memref<16x2048xf32, #tpu.memory_space<vmem>>, vector<16xf32>,
      tpu.vector_store %arg6[%swap3A_190, %swap3A_191], %broadcast_in_dim3A_6 {strides = array<i32>} : memref<16x2048xf32, #tpu.memory_space<vmem>>, vector<16xf32>,
      %swap3A_193 = arith.index_cast %scan3A_27 : i32 to index
      %swap3A_194 = arith.constant 880 : index
      %swap3A_195 = tpu.vector_load %arg6[%swap3A_193, %swap3A_194] {strides = array<i32>} : memref<16x2048xf32, #tpu.memory_space<vmem>>, vector<16xf32>,
      tpu.vector_store %arg6[%swap3A_193, %swap3A_194], %broadcast_in_dim3A_6 {strides = array<i32>} : memref<16x2048xf32, #tpu.memory_space<vmem>>, vector<16xf32>,
      %swap3A_196 = arith.index_cast %scan3A_27 : i32 to index
      %swap3A_197 = arith.constant 896 : index
      %swap3A_198 = tpu.vector_load %arg6[%swap3A_196, %swap3A_197] {strides = array<i32>} : memref<16x2048xf32, #tpu.memory_space<vmem>>, vector<16xf32>,
      tpu.vector_store %arg6[%swap3A_196, %swap3A_197], %broadcast_in_dim3A_6 {strides = array<i32>} : memref<16x2048xf32, #tpu.memory_space<vmem>>, vector<16xf32>,
      %swap3A_199 = arith.index_cast %scan3A_27 : i32 to index
      %swap3A_200 = arith.constant 912 : index
      %swap3A_201 = tpu.vector_load %arg6[%swap3A_199, %swap3A_200] {strides = array<i32>} : memref<16x2048xf32, #tpu.memory_space<vmem>>, vector<16xf32>,
      tpu.vector_store %arg6[%swap3A_199, %swap3A_200], %broadcast_in_dim3A_6 {strides = array<i32>} : memref<16x2048xf32, #tpu.memory_space<vmem>>, vector<16xf32>,
      %swap3A_202 = arith.index_cast %scan3A_27 : i32 to index
      %swap3A_203 = arith.constant 928 : index
      %swap3A_204 = tpu.vector_load %arg6[%swap3A_202, %swap3A_203] {strides = array<i32>} : memref<16x2048xf32, #tpu.memory_space<vmem>>, vector<16xf32>,
      tpu.vector_store %arg6[%swap3A_202, %swap3A_203], %broadcast_in_dim3A_6 {strides = array<i32>} : memref<16x2048xf32, #tpu.memory_space<vmem>>, vector<16xf32>,
      %swap3A_205 = arith.index_cast %scan3A_27 : i32 to index
      %swap3A_206 = arith.constant 944 : index
      %swap3A_207 = tpu.vector_load %arg6[%swap3A_205, %swap3A_206] {strides = array<i32>} : memref<16x2048xf32, #tpu.memory_space<vmem>>, vector<16xf32>,
      tpu.vector_store %arg6[%swap3A_205, %swap3A_206], %broadcast_in_dim3A_6 {strides = array<i32>} : memref<16x2048xf32, #tpu.memory_space<vmem>>, vector<16xf32>,
      %swap3A_208 = arith.index_cast %scan3A_27 : i32 to index
      %swap3A_209 = arith.constant 960 : index
      %swap3A_210 = tpu.vector_load %arg6[%swap3A_208, %swap3A_209] {strides = array<i32>} : memref<16x2048xf32, #tpu.memory_space<vmem>>, vector<16xf32>,
      tpu.vector_store %arg6[%swap3A_208, %swap3A_209], %broadcast_in_dim3A_6 {strides = array<i32>} : memref<16x2048xf32, #tpu.memory_space<vmem>>, vector<16xf32>,
      %swap3A_211 = arith.index_cast %scan3A_27 : i32 to index
      %swap3A_212 = arith.constant 976 : index
      %swap3A_213 = tpu.vector_load %arg6[%swap3A_211, %swap3A_212] {strides = array<i32>} : memref<16x2048xf32, #tpu.memory_space<vmem>>, vector<16xf32>,
      tpu.vector_store %arg6[%swap3A_211, %swap3A_212], %broadcast_in_dim3A_6 {strides = array<i32>} : memref<16x2048xf32, #tpu.memory_space<vmem>>, vector<16xf32>,
      %swap3A_214 = arith.index_cast %scan3A_27 : i32 to index
      %swap3A_215 = arith.constant 992 : index
      %swap3A_216 = tpu.vector_load %arg6[%swap3A_214, %swap3A_215] {strides = array<i32>} : memref<16x2048xf32, #tpu.memory_space<vmem>>, vector<16xf32>,
      tpu.vector_store %arg6[%swap3A_214, %swap3A_215], %broadcast_in_dim3A_6 {strides = array<i32>} : memref<16x2048xf32, #tpu.memory_space<vmem>>, vector<16xf32>,
      %swap3A_217 = arith.index_cast %scan3A_27 : i32 to index
      %swap3A_218 = arith.constant 1008 : index
      %swap3A_219 = tpu.vector_load %arg6[%swap3A_217, %swap3A_218] {strides = array<i32>} : memref<16x2048xf32, #tpu.memory_space<vmem>>, vector<16xf32>,
      tpu.vector_store %arg6[%swap3A_217, %swap3A_218], %broadcast_in_dim3A_6 {strides = array<i32>} : memref<16x2048xf32, #tpu.memory_space<vmem>>, vector<16xf32>,
      %swap3A_220 = arith.index_cast %scan3A_27 : i32 to index
      %swap3A_221 = arith.constant 1024 : index
      %swap3A_222 = tpu.vector_load %arg6[%swap3A_220, %swap3A_221] {strides = array<i32>} : memref<16x2048xf32, #tpu.memory_space<vmem>>, vector<16xf32>,
      tpu.vector_store %arg6[%swap3A_220, %swap3A_221], %broadcast_in_dim3A_6 {strides = array<i32>} : memref<16x2048xf32, #tpu.memory_space<vmem>>, vector<16xf32>,
      %swap3A_223 = arith.index_cast %scan3A_27 : i32 to index
      %swap3A_224 = arith.constant 1040 : index
      %swap3A_225 = tpu.vector_load %arg6[%swap3A_223, %swap3A_224] {strides = array<i32>} : memref<16x2048xf32, #tpu.memory_space<vmem>>, vector<16xf32>,
      tpu.vector_store %arg6[%swap3A_223, %swap3A_224], %broadcast_in_dim3A_6 {strides = array<i32>} : memref<16x2048xf32, #tpu.memory_space<vmem>>, vector<16xf32>,
      %swap3A_226 = arith.index_cast %scan3A_27 : i32 to index
      %swap3A_227 = arith.constant 1056 : index
      %swap3A_228 = tpu.vector_load %arg6[%swap3A_226, %swap3A_227] {strides = array<i32>} : memref<16x2048xf32, #tpu.memory_space<vmem>>, vector<16xf32>,
      tpu.vector_store %arg6[%swap3A_226, %swap3A_227], %broadcast_in_dim3A_6 {strides = array<i32>} : memref<16x2048xf32, #tpu.memory_space<vmem>>, vector<16xf32>,
      %swap3A_229 = arith.index_cast %scan3A_27 : i32 to index
      %swap3A_230 = arith.constant 1072 : index
      %swap3A_231 = tpu.vector_load %arg6[%swap3A_229, %swap3A_230] {strides = array<i32>} : memref<16x2048xf32, #tpu.memory_space<vmem>>, vector<16xf32>,
      tpu.vector_store %arg6[%swap3A_229, %swap3A_230], %broadcast_in_dim3A_6 {strides = array<i32>} : memref<16x2048xf32, #tpu.memory_space<vmem>>, vector<16xf32>,
      %swap3A_232 = arith.index_cast %scan3A_27 : i32 to index
      %swap3A_233 = arith.constant 1088 : index
      %swap3A_234 = tpu.vector_load %arg6[%swap3A_232, %swap3A_233] {strides = array<i32>} : memref<16x2048xf32, #tpu.memory_space<vmem>>, vector<16xf32>,
      tpu.vector_store %arg6[%swap3A_232, %swap3A_233], %broadcast_in_dim3A_6 {strides = array<i32>} : memref<16x2048xf32, #tpu.memory_space<vmem>>, vector<16xf32>,
      %swap3A_235 = arith.index_cast %scan3A_27 : i32 to index
      %swap3A_236 = arith.constant 1104 : index
      %swap3A_237 = tpu.vector_load %arg6[%swap3A_235, %swap3A_236] {strides = array<i32>} : memref<16x2048xf32, #tpu.memory_space<vmem>>, vector<16xf32>,
      tpu.vector_store %arg6[%swap3A_235, %swap3A_236], %broadcast_in_dim3A_6 {strides = array<i32>} : memref<16x2048xf32, #tpu.memory_space<vmem>>, vector<16xf32>,
      %swap3A_238 = arith.index_cast %scan3A_27 : i32 to index
      %swap3A_239 = arith.constant 1120 : index
      %swap3A_240 = tpu.vector_load %arg6[%swap3A_238, %swap3A_239] {strides = array<i32>} : memref<16x2048xf32, #tpu.memory_space<vmem>>, vector<16xf32>,
      tpu.vector_store %arg6[%swap3A_238, %swap3A_239], %broadcast_in_dim3A_6 {strides = array<i32>} : memref<16x2048xf32, #tpu.memory_space<vmem>>, vector<16xf32>,
      %swap3A_241 = arith.index_cast %scan3A_27 : i32 to index
      %swap3A_242 = arith.constant 1136 : index
      %swap3A_243 = tpu.vector_load %arg6[%swap3A_241, %swap3A_242] {strides = array<i32>} : memref<16x2048xf32, #tpu.memory_space<vmem>>, vector<16xf32>,
      tpu.vector_store %arg6[%swap3A_241, %swap3A_242], %broadcast_in_dim3A_6 {strides = array<i32>} : memref<16x2048xf32, #tpu.memory_space<vmem>>, vector<16xf32>,
      %swap3A_244 = arith.index_cast %scan3A_27 : i32 to index
      %swap3A_245 = arith.constant 1152 : index
      %swap3A_246 = tpu.vector_load %arg6[%swap3A_244, %swap3A_245] {strides = array<i32>} : memref<16x2048xf32, #tpu.memory_space<vmem>>, vector<16xf32>,
      tpu.vector_store %arg6[%swap3A_244, %swap3A_245], %broadcast_in_dim3A_6 {strides = array<i32>} : memref<16x2048xf32, #tpu.memory_space<vmem>>, vector<16xf32>,
      %swap3A_247 = arith.index_cast %scan3A_27 : i32 to index
      %swap3A_248 = arith.constant 1168 : index
      %swap3A_249 = tpu.vector_load %arg6[%swap3A_247, %swap3A_248] {strides = array<i32>} : memref<16x2048xf32, #tpu.memory_space<vmem>>, vector<16xf32>,
      tpu.vector_store %arg6[%swap3A_247, %swap3A_248], %broadcast_in_dim3A_6 {strides = array<i32>} : memref<16x2048xf32, #tpu.memory_space<vmem>>, vector<16xf32>,
      %swap3A_250 = arith.index_cast %scan3A_27 : i32 to index
      %swap3A_251 = arith.constant 1184 : index
      %swap3A_252 = tpu.vector_load %arg6[%swap3A_250, %swap3A_251] {strides = array<i32>} : memref<16x2048xf32, #tpu.memory_space<vmem>>, vector<16xf32>,
      tpu.vector_store %arg6[%swap3A_250, %swap3A_251], %broadcast_in_dim3A_6 {strides = array<i32>} : memref<16x2048xf32, #tpu.memory_space<vmem>>, vector<16xf32>,
      %swap3A_253 = arith.index_cast %scan3A_27 : i32 to index
      %swap3A_254 = arith.constant 1200 : index
      %swap3A_255 = tpu.vector_load %arg6[%swap3A_253, %swap3A_254] {strides = array<i32>} : memref<16x2048xf32, #tpu.memory_space<vmem>>, vector<16xf32>,
      tpu.vector_store %arg6[%swap3A_253, %swap3A_254], %broadcast_in_dim3A_6 {strides = array<i32>} : memref<16x2048xf32, #tpu.memory_space<vmem>>, vector<16xf32>,
      %swap3A_256 = arith.index_cast %scan3A_27 : i32 to index
      %swap3A_257 = arith.constant 1216 : index
      %swap3A_258 = tpu.vector_load %arg6[%swap3A_256, %swap3A_257] {strides = array<i32>} : memref<16x2048xf32, #tpu.memory_space<vmem>>, vector<16xf32>,
      tpu.vector_store %arg6[%swap3A_256, %swap3A_257], %broadcast_in_dim3A_6 {strides = array<i32>} : memref<16x2048xf32, #tpu.memory_space<vmem>>, vector<16xf32>,
      %swap3A_259 = arith.index_cast %scan3A_27 : i32 to index
      %swap3A_260 = arith.constant 1232 : index
      %swap3A_261 = tpu.vector_load %arg6[%swap3A_259, %swap3A_260] {strides = array<i32>} : memref<16x2048xf32, #tpu.memory_space<vmem>>, vector<16xf32>,
      tpu.vector_store %arg6[%swap3A_259, %swap3A_260], %broadcast_in_dim3A_6 {strides = array<i32>} : memref<16x2048xf32, #tpu.memory_space<vmem>>, vector<16xf32>,
      %swap3A_262 = arith.index_cast %scan3A_27 : i32 to index
      %swap3A_263 = arith.constant 1248 : index
      %swap3A_264 = tpu.vector_load %arg6[%swap3A_262, %swap3A_263] {strides = array<i32>} : memref<16x2048xf32, #tpu.memory_space<vmem>>, vector<16xf32>,
      tpu.vector_store %arg6[%swap3A_262, %swap3A_263], %broadcast_in_dim3A_6 {strides = array<i32>} : memref<16x2048xf32, #tpu.memory_space<vmem>>, vector<16xf32>,
      %swap3A_265 = arith.index_cast %scan3A_27 : i32 to index
      %swap3A_266 = arith.constant 1264 : index
      %swap3A_267 = tpu.vector_load %arg6[%swap3A_265, %swap3A_266] {strides = array<i32>} : memref<16x2048xf32, #tpu.memory_space<vmem>>, vector<16xf32>,
      tpu.vector_store %arg6[%swap3A_265, %swap3A_266], %broadcast_in_dim3A_6 {strides = array<i32>} : memref<16x2048xf32, #tpu.memory_space<vmem>>, vector<16xf32>,
      %swap3A_268 = arith.index_cast %scan3A_27 : i32 to index
      %swap3A_269 = arith.constant 1280 : index
      %swap3A_270 = tpu.vector_load %arg6[%swap3A_268, %swap3A_269] {strides = array<i32>} : memref<16x2048xf32, #tpu.memory_space<vmem>>, vector<16xf32>,
      tpu.vector_store %arg6[%swap3A_268, %swap3A_269], %broadcast_in_dim3A_6 {strides = array<i32>} : memref<16x2048xf32, #tpu.memory_space<vmem>>, vector<16xf32>,
      %swap3A_271 = arith.index_cast %scan3A_27 : i32 to index
      %swap3A_272 = arith.constant 1296 : index
      %swap3A_273 = tpu.vector_load %arg6[%swap3A_271, %swap3A_272] {strides = array<i32>} : memref<16x2048xf32, #tpu.memory_space<vmem>>, vector<16xf32>,
      tpu.vector_store %arg6[%swap3A_271, %swap3A_272], %broadcast_in_dim3A_6 {strides = array<i32>} : memref<16x2048xf32, #tpu.memory_space<vmem>>, vector<16xf32>,
      %swap3A_274 = arith.index_cast %scan3A_27 : i32 to index
      %swap3A_275 = arith.constant 1312 : index
      %swap3A_276 = tpu.vector_load %arg6[%swap3A_274, %swap3A_275] {strides = array<i32>} : memref<16x2048xf32, #tpu.memory_space<vmem>>, vector<16xf32>,
      tpu.vector_store %arg6[%swap3A_274, %swap3A_275], %broadcast_in_dim3A_6 {strides = array<i32>} : memref<16x2048xf32, #tpu.memory_space<vmem>>, vector<16xf32>,
      %swap3A_277 = arith.index_cast %scan3A_27 : i32 to index
      %swap3A_278 = arith.constant 1328 : index
      %swap3A_279 = tpu.vector_load %arg6[%swap3A_277, %swap3A_278] {strides = array<i32>} : memref<16x2048xf32, #tpu.memory_space<vmem>>, vector<16xf32>,
      tpu.vector_store %arg6[%swap3A_277, %swap3A_278], %broadcast_in_dim3A_6 {strides = array<i32>} : memref<16x2048xf32, #tpu.memory_space<vmem>>, vector<16xf32>,
      %swap3A_280 = arith.index_cast %scan3A_27 : i32 to index
      %swap3A_281 = arith.constant 1344 : index
      %swap3A_282 = tpu.vector_load %arg6[%swap3A_280, %swap3A_281] {strides = array<i32>} : memref<16x2048xf32, #tpu.memory_space<vmem>>, vector<16xf32>,
      tpu.vector_store %arg6[%swap3A_280, %swap3A_281], %broadcast_in_dim3A_6 {strides = array<i32>} : memref<16x2048xf32, #tpu.memory_space<vmem>>, vector<16xf32>,
      %swap3A_283 = arith.index_cast %scan3A_27 : i32 to index
      %swap3A_284 = arith.constant 1360 : index
      %swap3A_285 = tpu.vector_load %arg6[%swap3A_283, %swap3A_284] {strides = array<i32>} : memref<16x2048xf32, #tpu.memory_space<vmem>>, vector<16xf32>,
      tpu.vector_store %arg6[%swap3A_283, %swap3A_284], %broadcast_in_dim3A_6 {strides = array<i32>} : memref<16x2048xf32, #tpu.memory_space<vmem>>, vector<16xf32>,
      %swap3A_286 = arith.index_cast %scan3A_27 : i32 to index
      %swap3A_287 = arith.constant 1376 : index
      %swap3A_288 = tpu.vector_load %arg6[%swap3A_286, %swap3A_287] {strides = array<i32>} : memref<16x2048xf32, #tpu.memory_space<vmem>>, vector<16xf32>,
      tpu.vector_store %arg6[%swap3A_286, %swap3A_287], %broadcast_in_dim3A_6 {strides = array<i32>} : memref<16x2048xf32, #tpu.memory_space<vmem>>, vector<16xf32>,
      %swap3A_289 = arith.index_cast %scan3A_27 : i32 to index
      %swap3A_290 = arith.constant 1392 : index
      %swap3A_291 = tpu.vector_load %arg6[%swap3A_289, %swap3A_290] {strides = array<i32>} : memref<16x2048xf32, #tpu.memory_space<vmem>>, vector<16xf32>,
      tpu.vector_store %arg6[%swap3A_289, %swap3A_290], %broadcast_in_dim3A_6 {strides = array<i32>} : memref<16x2048xf32, #tpu.memory_space<vmem>>, vector<16xf32>,
      %swap3A_292 = arith.index_cast %scan3A_27 : i32 to index
      %swap3A_293 = arith.constant 1408 : index
      %swap3A_294 = tpu.vector_load %arg6[%swap3A_292, %swap3A_293] {strides = array<i32>} : memref<16x2048xf32, #tpu.memory_space<vmem>>, vector<16xf32>,
      tpu.vector_store %arg6[%swap3A_292, %swap3A_293], %broadcast_in_dim3A_6 {strides = array<i32>} : memref<16x2048xf32, #tpu.memory_space<vmem>>, vector<16xf32>,
      %swap3A_295 = arith.index_cast %scan3A_27 : i32 to index
      %swap3A_296 = arith.constant 1424 : index
      %swap3A_297 = tpu.vector_load %arg6[%swap3A_295, %swap3A_296] {strides = array<i32>} : memref<16x2048xf32, #tpu.memory_space<vmem>>, vector<16xf32>,
      tpu.vector_store %arg6[%swap3A_295, %swap3A_296], %broadcast_in_dim3A_6 {strides = array<i32>} : memref<16x2048xf32, #tpu.memory_space<vmem>>, vector<16xf32>,
      %swap3A_298 = arith.index_cast %scan3A_27 : i32 to index
      %swap3A_299 = arith.constant 1440 : index
      %swap3A_300 = tpu.vector_load %arg6[%swap3A_298, %swap3A_299] {strides = array<i32>} : memref<16x2048xf32, #tpu.memory_space<vmem>>, vector<16xf32>,
      tpu.vector_store %arg6[%swap3A_298, %swap3A_299], %broadcast_in_dim3A_6 {strides = array<i32>} : memref<16x2048xf32, #tpu.memory_space<vmem>>, vector<16xf32>,
      %swap3A_301 = arith.index_cast %scan3A_27 : i32 to index
      %swap3A_302 = arith.constant 1456 : index
      %swap3A_303 = tpu.vector_load %arg6[%swap3A_301, %swap3A_302] {strides = array<i32>} : memref<16x2048xf32, #tpu.memory_space<vmem>>, vector<16xf32>,
      tpu.vector_store %arg6[%swap3A_301, %swap3A_302], %broadcast_in_dim3A_6 {strides = array<i32>} : memref<16x2048xf32, #tpu.memory_space<vmem>>, vector<16xf32>,
      %swap3A_304 = arith.index_cast %scan3A_27 : i32 to index
      %swap3A_305 = arith.constant 1472 : index
      %swap3A_306 = tpu.vector_load %arg6[%swap3A_304, %swap3A_305] {strides = array<i32>} : memref<16x2048xf32, #tpu.memory_space<vmem>>, vector<16xf32>,
      tpu.vector_store %arg6[%swap3A_304, %swap3A_305], %broadcast_in_dim3A_6 {strides = array<i32>} : memref<16x2048xf32, #tpu.memory_space<vmem>>, vector<16xf32>,
      %swap3A_307 = arith.index_cast %scan3A_27 : i32 to index
      %swap3A_308 = arith.constant 1488 : index
      %swap3A_309 = tpu.vector_load %arg6[%swap3A_307, %swap3A_308] {strides = array<i32>} : memref<16x2048xf32, #tpu.memory_space<vmem>>, vector<16xf32>,
      tpu.vector_store %arg6[%swap3A_307, %swap3A_308], %broadcast_in_dim3A_6 {strides = array<i32>} : memref<16x2048xf32, #tpu.memory_space<vmem>>, vector<16xf32>,
      %swap3A_310 = arith.index_cast %scan3A_27 : i32 to index
      %swap3A_311 = arith.constant 1504 : index
      %swap3A_312 = tpu.vector_load %arg6[%swap3A_310, %swap3A_311] {strides = array<i32>} : memref<16x2048xf32, #tpu.memory_space<vmem>>, vector<16xf32>,
      tpu.vector_store %arg6[%swap3A_310, %swap3A_311], %broadcast_in_dim3A_6 {strides = array<i32>} : memref<16x2048xf32, #tpu.memory_space<vmem>>, vector<16xf32>,
      %swap3A_313 = arith.index_cast %scan3A_27 : i32 to index
      %swap3A_314 = arith.constant 1520 : index
      %swap3A_315 = tpu.vector_load %arg6[%swap3A_313, %swap3A_314] {strides = array<i32>} : memref<16x2048xf32, #tpu.memory_space<vmem>>, vector<16xf32>,
      tpu.vector_store %arg6[%swap3A_313, %swap3A_314], %broadcast_in_dim3A_6 {strides = array<i32>} : memref<16x2048xf32, #tpu.memory_space<vmem>>, vector<16xf32>,
      %swap3A_316 = arith.index_cast %scan3A_27 : i32 to index
      %swap3A_317 = arith.constant 1536 : index
      %swap3A_318 = tpu.vector_load %arg6[%swap3A_316, %swap3A_317] {strides = array<i32>} : memref<16x2048xf32, #tpu.memory_space<vmem>>, vector<16xf32>,
      tpu.vector_store %arg6[%swap3A_316, %swap3A_317], %broadcast_in_dim3A_6 {strides = array<i32>} : memref<16x2048xf32, #tpu.memory_space<vmem>>, vector<16xf32>,
      %swap3A_319 = arith.index_cast %scan3A_27 : i32 to index
      %swap3A_320 = arith.constant 1552 : index
      %swap3A_321 = tpu.vector_load %arg6[%swap3A_319, %swap3A_320] {strides = array<i32>} : memref<16x2048xf32, #tpu.memory_space<vmem>>, vector<16xf32>,
      tpu.vector_store %arg6[%swap3A_319, %swap3A_320], %broadcast_in_dim3A_6 {strides = array<i32>} : memref<16x2048xf32, #tpu.memory_space<vmem>>, vector<16xf32>,
      %swap3A_322 = arith.index_cast %scan3A_27 : i32 to index
      %swap3A_323 = arith.constant 1568 : index
      %swap3A_324 = tpu.vector_load %arg6[%swap3A_322, %swap3A_323] {strides = array<i32>} : memref<16x2048xf32, #tpu.memory_space<vmem>>, vector<16xf32>,
      tpu.vector_store %arg6[%swap3A_322, %swap3A_323], %broadcast_in_dim3A_6 {strides = array<i32>} : memref<16x2048xf32, #tpu.memory_space<vmem>>, vector<16xf32>,
      %swap3A_325 = arith.index_cast %scan3A_27 : i32 to index
      %swap3A_326 = arith.constant 1584 : index
      %swap3A_327 = tpu.vector_load %arg6[%swap3A_325, %swap3A_326] {strides = array<i32>} : memref<16x2048xf32, #tpu.memory_space<vmem>>, vector<16xf32>,
      tpu.vector_store %arg6[%swap3A_325, %swap3A_326], %broadcast_in_dim3A_6 {strides = array<i32>} : memref<16x2048xf32, #tpu.memory_space<vmem>>, vector<16xf32>,
      %swap3A_328 = arith.index_cast %scan3A_27 : i32 to index
      %swap3A_329 = arith.constant 1600 : index
      %swap3A_330 = tpu.vector_load %arg6[%swap3A_328, %swap3A_329] {strides = array<i32>} : memref<16x2048xf32, #tpu.memory_space<vmem>>, vector<16xf32>,
      tpu.vector_store %arg6[%swap3A_328, %swap3A_329], %broadcast_in_dim3A_6 {strides = array<i32>} : memref<16x2048xf32, #tpu.memory_space<vmem>>, vector<16xf32>,
      %swap3A_331 = arith.index_cast %scan3A_27 : i32 to index
      %swap3A_332 = arith.constant 1616 : index
      %swap3A_333 = tpu.vector_load %arg6[%swap3A_331, %swap3A_332] {strides = array<i32>} : memref<16x2048xf32, #tpu.memory_space<vmem>>, vector<16xf32>,
      tpu.vector_store %arg6[%swap3A_331, %swap3A_332], %broadcast_in_dim3A_6 {strides = array<i32>} : memref<16x2048xf32, #tpu.memory_space<vmem>>, vector<16xf32>,
      %swap3A_334 = arith.index_cast %scan3A_27 : i32 to index
      %swap3A_335 = arith.constant 1632 : index
      %swap3A_336 = tpu.vector_load %arg6[%swap3A_334, %swap3A_335] {strides = array<i32>} : memref<16x2048xf32, #tpu.memory_space<vmem>>, vector<16xf32>,
      tpu.vector_store %arg6[%swap3A_334, %swap3A_335], %broadcast_in_dim3A_6 {strides = array<i32>} : memref<16x2048xf32, #tpu.memory_space<vmem>>, vector<16xf32>,
      %swap3A_337 = arith.index_cast %scan3A_27 : i32 to index
      %swap3A_338 = arith.constant 1648 : index
      %swap3A_339 = tpu.vector_load %arg6[%swap3A_337, %swap3A_338] {strides = array<i32>} : memref<16x2048xf32, #tpu.memory_space<vmem>>, vector<16xf32>,
      tpu.vector_store %arg6[%swap3A_337, %swap3A_338], %broadcast_in_dim3A_6 {strides = array<i32>} : memref<16x2048xf32, #tpu.memory_space<vmem>>, vector<16xf32>,
      %swap3A_340 = arith.index_cast %scan3A_27 : i32 to index
      %swap3A_341 = arith.constant 1664 : index
      %swap3A_342 = tpu.vector_load %arg6[%swap3A_340, %swap3A_341] {strides = array<i32>} : memref<16x2048xf32, #tpu.memory_space<vmem>>, vector<16xf32>,
      tpu.vector_store %arg6[%swap3A_340, %swap3A_341], %broadcast_in_dim3A_6 {strides = array<i32>} : memref<16x2048xf32, #tpu.memory_space<vmem>>, vector<16xf32>,
      %swap3A_343 = arith.index_cast %scan3A_27 : i32 to index
      %swap3A_344 = arith.constant 1680 : index
      %swap3A_345 = tpu.vector_load %arg6[%swap3A_343, %swap3A_344] {strides = array<i32>} : memref<16x2048xf32, #tpu.memory_space<vmem>>, vector<16xf32>,
      tpu.vector_store %arg6[%swap3A_343, %swap3A_344], %broadcast_in_dim3A_6 {strides = array<i32>} : memref<16x2048xf32, #tpu.memory_space<vmem>>, vector<16xf32>,
      %swap3A_346 = arith.index_cast %scan3A_27 : i32 to index
      %swap3A_347 = arith.constant 1696 : index
      %swap3A_348 = tpu.vector_load %arg6[%swap3A_346, %swap3A_347] {strides = array<i32>} : memref<16x2048xf32, #tpu.memory_space<vmem>>, vector<16xf32>,
      tpu.vector_store %arg6[%swap3A_346, %swap3A_347], %broadcast_in_dim3A_6 {strides = array<i32>} : memref<16x2048xf32, #tpu.memory_space<vmem>>, vector<16xf32>,
      %swap3A_349 = arith.index_cast %scan3A_27 : i32 to index
      %swap3A_350 = arith.constant 1712 : index
      %swap3A_351 = tpu.vector_load %arg6[%swap3A_349, %swap3A_350] {strides = array<i32>} : memref<16x2048xf32, #tpu.memory_space<vmem>>, vector<16xf32>,
      tpu.vector_store %arg6[%swap3A_349, %swap3A_350], %broadcast_in_dim3A_6 {strides = array<i32>} : memref<16x2048xf32, #tpu.memory_space<vmem>>, vector<16xf32>,
      %swap3A_352 = arith.index_cast %scan3A_27 : i32 to index
      %swap3A_353 = arith.constant 1728 : index
      %swap3A_354 = tpu.vector_load %arg6[%swap3A_352, %swap3A_353] {strides = array<i32>} : memref<16x2048xf32, #tpu.memory_space<vmem>>, vector<16xf32>,
      tpu.vector_store %arg6[%swap3A_352, %swap3A_353], %broadcast_in_dim3A_6 {strides = array<i32>} : memref<16x2048xf32, #tpu.memory_space<vmem>>, vector<16xf32>,
      %swap3A_355 = arith.index_cast %scan3A_27 : i32 to index
      %swap3A_356 = arith.constant 1744 : index
      %swap3A_357 = tpu.vector_load %arg6[%swap3A_355, %swap3A_356] {strides = array<i32>} : memref<16x2048xf32, #tpu.memory_space<vmem>>, vector<16xf32>,
      tpu.vector_store %arg6[%swap3A_355, %swap3A_356], %broadcast_in_dim3A_6 {strides = array<i32>} : memref<16x2048xf32, #tpu.memory_space<vmem>>, vector<16xf32>,
      %swap3A_358 = arith.index_cast %scan3A_27 : i32 to index
      %swap3A_359 = arith.constant 1760 : index
      %swap3A_360 = tpu.vector_load %arg6[%swap3A_358, %swap3A_359] {strides = array<i32>} : memref<16x2048xf32, #tpu.memory_space<vmem>>, vector<16xf32>,
      tpu.vector_store %arg6[%swap3A_358, %swap3A_359], %broadcast_in_dim3A_6 {strides = array<i32>} : memref<16x2048xf32, #tpu.memory_space<vmem>>, vector<16xf32>,
      %swap3A_361 = arith.index_cast %scan3A_27 : i32 to index
      %swap3A_362 = arith.constant 1776 : index
      %swap3A_363 = tpu.vector_load %arg6[%swap3A_361, %swap3A_362] {strides = array<i32>} : memref<16x2048xf32, #tpu.memory_space<vmem>>, vector<16xf32>,
      tpu.vector_store %arg6[%swap3A_361, %swap3A_362], %broadcast_in_dim3A_6 {strides = array<i32>} : memref<16x2048xf32, #tpu.memory_space<vmem>>, vector<16xf32>,
      %swap3A_364 = arith.index_cast %scan3A_27 : i32 to index
      %swap3A_365 = arith.constant 1792 : index
      %swap3A_366 = tpu.vector_load %arg6[%swap3A_364, %swap3A_365] {strides = array<i32>} : memref<16x2048xf32, #tpu.memory_space<vmem>>, vector<16xf32>,
      tpu.vector_store %arg6[%swap3A_364, %swap3A_365], %broadcast_in_dim3A_6 {strides = array<i32>} : memref<16x2048xf32, #tpu.memory_space<vmem>>, vector<16xf32>,
      %swap3A_367 = arith.index_cast %scan3A_27 : i32 to index
      %swap3A_368 = arith.constant 1808 : index
      %swap3A_369 = tpu.vector_load %arg6[%swap3A_367, %swap3A_368] {strides = array<i32>} : memref<16x2048xf32, #tpu.memory_space<vmem>>, vector<16xf32>,
      tpu.vector_store %arg6[%swap3A_367, %swap3A_368], %broadcast_in_dim3A_6 {strides = array<i32>} : memref<16x2048xf32, #tpu.memory_space<vmem>>, vector<16xf32>,
      %swap3A_370 = arith.index_cast %scan3A_27 : i32 to index
      %swap3A_371 = arith.constant 1824 : index
      %swap3A_372 = tpu.vector_load %arg6[%swap3A_370, %swap3A_371] {strides = array<i32>} : memref<16x2048xf32, #tpu.memory_space<vmem>>, vector<16xf32>,
      tpu.vector_store %arg6[%swap3A_370, %swap3A_371], %broadcast_in_dim3A_6 {strides = array<i32>} : memref<16x2048xf32, #tpu.memory_space<vmem>>, vector<16xf32>,
      %swap3A_373 = arith.index_cast %scan3A_27 : i32 to index
      %swap3A_374 = arith.constant 1840 : index
      %swap3A_375 = tpu.vector_load %arg6[%swap3A_373, %swap3A_374] {strides = array<i32>} : memref<16x2048xf32, #tpu.memory_space<vmem>>, vector<16xf32>,
      tpu.vector_store %arg6[%swap3A_373, %swap3A_374], %broadcast_in_dim3A_6 {strides = array<i32>} : memref<16x2048xf32, #tpu.memory_space<vmem>>, vector<16xf32>,
      %swap3A_376 = arith.index_cast %scan3A_27 : i32 to index
      %swap3A_377 = arith.constant 1856 : index
      %swap3A_378 = tpu.vector_load %arg6[%swap3A_376, %swap3A_377] {strides = array<i32>} : memref<16x2048xf32, #tpu.memory_space<vmem>>, vector<16xf32>,
      tpu.vector_store %arg6[%swap3A_376, %swap3A_377], %broadcast_in_dim3A_6 {strides = array<i32>} : memref<16x2048xf32, #tpu.memory_space<vmem>>, vector<16xf32>,
      %swap3A_379 = arith.index_cast %scan3A_27 : i32 to index
      %swap3A_380 = arith.constant 1872 : index
      %swap3A_381 = tpu.vector_load %arg6[%swap3A_379, %swap3A_380] {strides = array<i32>} : memref<16x2048xf32, #tpu.memory_space<vmem>>, vector<16xf32>,
      tpu.vector_store %arg6[%swap3A_379, %swap3A_380], %broadcast_in_dim3A_6 {strides = array<i32>} : memref<16x2048xf32, #tpu.memory_space<vmem>>, vector<16xf32>,
      %swap3A_382 = arith.index_cast %scan3A_27 : i32 to index
      %swap3A_383 = arith.constant 1888 : index
      %swap3A_384 = tpu.vector_load %arg6[%swap3A_382, %swap3A_383] {strides = array<i32>} : memref<16x2048xf32, #tpu.memory_space<vmem>>, vector<16xf32>,
      tpu.vector_store %arg6[%swap3A_382, %swap3A_383], %broadcast_in_dim3A_6 {strides = array<i32>} : memref<16x2048xf32, #tpu.memory_space<vmem>>, vector<16xf32>,
      %swap3A_385 = arith.index_cast %scan3A_27 : i32 to index
      %swap3A_386 = arith.constant 1904 : index
      %swap3A_387 = tpu.vector_load %arg6[%swap3A_385, %swap3A_386] {strides = array<i32>} : memref<16x2048xf32, #tpu.memory_space<vmem>>, vector<16xf32>,
      tpu.vector_store %arg6[%swap3A_385, %swap3A_386], %broadcast_in_dim3A_6 {strides = array<i32>} : memref<16x2048xf32, #tpu.memory_space<vmem>>, vector<16xf32>,
      %swap3A_388 = arith.index_cast %scan3A_27 : i32 to index
      %swap3A_389 = arith.constant 1920 : index
      %swap3A_390 = tpu.vector_load %arg6[%swap3A_388, %swap3A_389] {strides = array<i32>} : memref<16x2048xf32, #tpu.memory_space<vmem>>, vector<16xf32>,
      tpu.vector_store %arg6[%swap3A_388, %swap3A_389], %broadcast_in_dim3A_6 {strides = array<i32>} : memref<16x2048xf32, #tpu.memory_space<vmem>>, vector<16xf32>,
      %swap3A_391 = arith.index_cast %scan3A_27 : i32 to index
      %swap3A_392 = arith.constant 1936 : index
      %swap3A_393 = tpu.vector_load %arg6[%swap3A_391, %swap3A_392] {strides = array<i32>} : memref<16x2048xf32, #tpu.memory_space<vmem>>, vector<16xf32>,
      tpu.vector_store %arg6[%swap3A_391, %swap3A_392], %broadcast_in_dim3A_6 {strides = array<i32>} : memref<16x2048xf32, #tpu.memory_space<vmem>>, vector<16xf32>,
      %swap3A_394 = arith.index_cast %scan3A_27 : i32 to index
      %swap3A_395 = arith.constant 1952 : index
      %swap3A_396 = tpu.vector_load %arg6[%swap3A_394, %swap3A_395] {strides = array<i32>} : memref<16x2048xf32, #tpu.memory_space<vmem>>, vector<16xf32>,
      tpu.vector_store %arg6[%swap3A_394, %swap3A_395], %broadcast_in_dim3A_6 {strides = array<i32>} : memref<16x2048xf32, #tpu.memory_space<vmem>>, vector<16xf32>,
      %swap3A_397 = arith.index_cast %scan3A_27 : i32 to index
      %swap3A_398 = arith.constant 1968 : index
      %swap3A_399 = tpu.vector_load %arg6[%swap3A_397, %swap3A_398] {strides = array<i32>} : memref<16x2048xf32, #tpu.memory_space<vmem>>, vector<16xf32>,
      tpu.vector_store %arg6[%swap3A_397, %swap3A_398], %broadcast_in_dim3A_6 {strides = array<i32>} : memref<16x2048xf32, #tpu.memory_space<vmem>>, vector<16xf32>,
      %swap3A_400 = arith.index_cast %scan3A_27 : i32 to index
      %swap3A_401 = arith.constant 1984 : index
      %swap3A_402 = tpu.vector_load %arg6[%swap3A_400, %swap3A_401] {strides = array<i32>} : memref<16x2048xf32, #tpu.memory_space<vmem>>, vector<16xf32>,
      tpu.vector_store %arg6[%swap3A_400, %swap3A_401], %broadcast_in_dim3A_6 {strides = array<i32>} : memref<16x2048xf32, #tpu.memory_space<vmem>>, vector<16xf32>,
      %swap3A_403 = arith.index_cast %scan3A_27 : i32 to index
      %swap3A_404 = arith.constant 2000 : index
      %swap3A_405 = tpu.vector_load %arg6[%swap3A_403, %swap3A_404] {strides = array<i32>} : memref<16x2048xf32, #tpu.memory_space<vmem>>, vector<16xf32>,
      tpu.vector_store %arg6[%swap3A_403, %swap3A_404], %broadcast_in_dim3A_6 {strides = array<i32>} : memref<16x2048xf32, #tpu.memory_space<vmem>>, vector<16xf32>,
      %swap3A_406 = arith.index_cast %scan3A_27 : i32 to index
      %swap3A_407 = arith.constant 2016 : index
      %swap3A_408 = tpu.vector_load %arg6[%swap3A_406, %swap3A_407] {strides = array<i32>} : memref<16x2048xf32, #tpu.memory_space<vmem>>, vector<16xf32>,
      tpu.vector_store %arg6[%swap3A_406, %swap3A_407], %broadcast_in_dim3A_6 {strides = array<i32>} : memref<16x2048xf32, #tpu.memory_space<vmem>>, vector<16xf32>,
      %swap3A_409 = arith.index_cast %scan3A_27 : i32 to index
      %swap3A_410 = arith.constant 2032 : index
      %swap3A_411 = tpu.vector_load %arg6[%swap3A_409, %swap3A_410] {strides = array<i32>} : memref<16x2048xf32, #tpu.memory_space<vmem>>, vector<16xf32>,
      tpu.vector_store %arg6[%swap3A_409, %swap3A_410], %broadcast_in_dim3A_6 {strides = array<i32>} : memref<16x2048xf32, #tpu.memory_space<vmem>>, vector<16xf32>,
      %swap3A_412 = arith.index_cast %scan3A_27 : i32 to index
      %swap3A_413 = arith.constant 0 : index
      %swap3A_414 = tpu.vector_load %arg7[%swap3A_412, %swap3A_413] {strides = array<i32>} : memref<16x2048xf32, #tpu.memory_space<vmem>>, vector<16xf32>,
      tpu.vector_store %arg7[%swap3A_412, %swap3A_413], %broadcast_in_dim3A_6 {strides = array<i32>} : memref<16x2048xf32, #tpu.memory_space<vmem>>, vector<16xf32>,
      %swap3A_415 = arith.index_cast %scan3A_27 : i32 to index
      %swap3A_416 = arith.constant 16 : index
      %swap3A_417 = tpu.vector_load %arg7[%swap3A_415, %swap3A_416] {strides = array<i32>} : memref<16x2048xf32, #tpu.memory_space<vmem>>, vector<16xf32>,
      tpu.vector_store %arg7[%swap3A_415, %swap3A_416], %broadcast_in_dim3A_6 {strides = array<i32>} : memref<16x2048xf32, #tpu.memory_space<vmem>>, vector<16xf32>,
      %swap3A_418 = arith.index_cast %scan3A_27 : i32 to index
      %swap3A_419 = arith.constant 32 : index
      %swap3A_420 = tpu.vector_load %arg7[%swap3A_418, %swap3A_419] {strides = array<i32>} : memref<16x2048xf32, #tpu.memory_space<vmem>>, vector<16xf32>,
      tpu.vector_store %arg7[%swap3A_418, %swap3A_419], %broadcast_in_dim3A_6 {strides = array<i32>} : memref<16x2048xf32, #tpu.memory_space<vmem>>, vector<16xf32>,
      %swap3A_421 = arith.index_cast %scan3A_27 : i32 to index
      %swap3A_422 = arith.constant 48 : index
      %swap3A_423 = tpu.vector_load %arg7[%swap3A_421, %swap3A_422] {strides = array<i32>} : memref<16x2048xf32, #tpu.memory_space<vmem>>, vector<16xf32>,
      tpu.vector_store %arg7[%swap3A_421, %swap3A_422], %broadcast_in_dim3A_6 {strides = array<i32>} : memref<16x2048xf32, #tpu.memory_space<vmem>>, vector<16xf32>,
      %swap3A_424 = arith.index_cast %scan3A_27 : i32 to index
      %swap3A_425 = arith.constant 64 : index
      %swap3A_426 = tpu.vector_load %arg7[%swap3A_424, %swap3A_425] {strides = array<i32>} : memref<16x2048xf32, #tpu.memory_space<vmem>>, vector<16xf32>,
      tpu.vector_store %arg7[%swap3A_424, %swap3A_425], %broadcast_in_dim3A_6 {strides = array<i32>} : memref<16x2048xf32, #tpu.memory_space<vmem>>, vector<16xf32>,
      %swap3A_427 = arith.index_cast %scan3A_27 : i32 to index
      %swap3A_428 = arith.constant 80 : index
      %swap3A_429 = tpu.vector_load %arg7[%swap3A_427, %swap3A_428] {strides = array<i32>} : memref<16x2048xf32, #tpu.memory_space<vmem>>, vector<16xf32>,
      tpu.vector_store %arg7[%swap3A_427, %swap3A_428], %broadcast_in_dim3A_6 {strides = array<i32>} : memref<16x2048xf32, #tpu.memory_space<vmem>>, vector<16xf32>,
      %swap3A_430 = arith.index_cast %scan3A_27 : i32 to index
      %swap3A_431 = arith.constant 96 : index
      %swap3A_432 = tpu.vector_load %arg7[%swap3A_430, %swap3A_431] {strides = array<i32>} : memref<16x2048xf32, #tpu.memory_space<vmem>>, vector<16xf32>,
      tpu.vector_store %arg7[%swap3A_430, %swap3A_431], %broadcast_in_dim3A_6 {strides = array<i32>} : memref<16x2048xf32, #tpu.memory_space<vmem>>, vector<16xf32>,
      %swap3A_433 = arith.index_cast %scan3A_27 : i32 to index
      %swap3A_434 = arith.constant 112 : index
      %swap3A_435 = tpu.vector_load %arg7[%swap3A_433, %swap3A_434] {strides = array<i32>} : memref<16x2048xf32, #tpu.memory_space<vmem>>, vector<16xf32>,
      tpu.vector_store %arg7[%swap3A_433, %swap3A_434], %broadcast_in_dim3A_6 {strides = array<i32>} : memref<16x2048xf32, #tpu.memory_space<vmem>>, vector<16xf32>,
      %swap3A_436 = arith.index_cast %scan3A_27 : i32 to index
      %swap3A_437 = arith.constant 128 : index
      %swap3A_438 = tpu.vector_load %arg7[%swap3A_436, %swap3A_437] {strides = array<i32>} : memref<16x2048xf32, #tpu.memory_space<vmem>>, vector<16xf32>,
      tpu.vector_store %arg7[%swap3A_436, %swap3A_437], %broadcast_in_dim3A_6 {strides = array<i32>} : memref<16x2048xf32, #tpu.memory_space<vmem>>, vector<16xf32>,
      %swap3A_439 = arith.index_cast %scan3A_27 : i32 to index
      %swap3A_440 = arith.constant 144 : index
      %swap3A_441 = tpu.vector_load %arg7[%swap3A_439, %swap3A_440] {strides = array<i32>} : memref<16x2048xf32, #tpu.memory_space<vmem>>, vector<16xf32>,
      tpu.vector_store %arg7[%swap3A_439, %swap3A_440], %broadcast_in_dim3A_6 {strides = array<i32>} : memref<16x2048xf32, #tpu.memory_space<vmem>>, vector<16xf32>,
      %swap3A_442 = arith.index_cast %scan3A_27 : i32 to index
      %swap3A_443 = arith.constant 160 : index
      %swap3A_444 = tpu.vector_load %arg7[%swap3A_442, %swap3A_443] {strides = array<i32>} : memref<16x2048xf32, #tpu.memory_space<vmem>>, vector<16xf32>,
      tpu.vector_store %arg7[%swap3A_442, %swap3A_443], %broadcast_in_dim3A_6 {strides = array<i32>} : memref<16x2048xf32, #tpu.memory_space<vmem>>, vector<16xf32>,
      %swap3A_445 = arith.index_cast %scan3A_27 : i32 to index
      %swap3A_446 = arith.constant 176 : index
      %swap3A_447 = tpu.vector_load %arg7[%swap3A_445, %swap3A_446] {strides = array<i32>} : memref<16x2048xf32, #tpu.memory_space<vmem>>, vector<16xf32>,
      tpu.vector_store %arg7[%swap3A_445, %swap3A_446], %broadcast_in_dim3A_6 {strides = array<i32>} : memref<16x2048xf32, #tpu.memory_space<vmem>>, vector<16xf32>,
      %swap3A_448 = arith.index_cast %scan3A_27 : i32 to index
      %swap3A_449 = arith.constant 192 : index
      %swap3A_450 = tpu.vector_load %arg7[%swap3A_448, %swap3A_449] {strides = array<i32>} : memref<16x2048xf32, #tpu.memory_space<vmem>>, vector<16xf32>,
      tpu.vector_store %arg7[%swap3A_448, %swap3A_449], %broadcast_in_dim3A_6 {strides = array<i32>} : memref<16x2048xf32, #tpu.memory_space<vmem>>, vector<16xf32>,
      %swap3A_451 = arith.index_cast %scan3A_27 : i32 to index
      %swap3A_452 = arith.constant 208 : index
      %swap3A_453 = tpu.vector_load %arg7[%swap3A_451, %swap3A_452] {strides = array<i32>} : memref<16x2048xf32, #tpu.memory_space<vmem>>, vector<16xf32>,
      tpu.vector_store %arg7[%swap3A_451, %swap3A_452], %broadcast_in_dim3A_6 {strides = array<i32>} : memref<16x2048xf32, #tpu.memory_space<vmem>>, vector<16xf32>,
      %swap3A_454 = arith.index_cast %scan3A_27 : i32 to index
      %swap3A_455 = arith.constant 224 : index
      %swap3A_456 = tpu.vector_load %arg7[%swap3A_454, %swap3A_455] {strides = array<i32>} : memref<16x2048xf32, #tpu.memory_space<vmem>>, vector<16xf32>,
      tpu.vector_store %arg7[%swap3A_454, %swap3A_455], %broadcast_in_dim3A_6 {strides = array<i32>} : memref<16x2048xf32, #tpu.memory_space<vmem>>, vector<16xf32>,
      %swap3A_457 = arith.index_cast %scan3A_27 : i32 to index
      %swap3A_458 = arith.constant 240 : index
      %swap3A_459 = tpu.vector_load %arg7[%swap3A_457, %swap3A_458] {strides = array<i32>} : memref<16x2048xf32, #tpu.memory_space<vmem>>, vector<16xf32>,
      tpu.vector_store %arg7[%swap3A_457, %swap3A_458], %broadcast_in_dim3A_6 {strides = array<i32>} : memref<16x2048xf32, #tpu.memory_space<vmem>>, vector<16xf32>,
      %swap3A_460 = arith.index_cast %scan3A_27 : i32 to index
      %swap3A_461 = arith.constant 256 : index
      %swap3A_462 = tpu.vector_load %arg7[%swap3A_460, %swap3A_461] {strides = array<i32>} : memref<16x2048xf32, #tpu.memory_space<vmem>>, vector<16xf32>,
      tpu.vector_store %arg7[%swap3A_460, %swap3A_461], %broadcast_in_dim3A_6 {strides = array<i32>} : memref<16x2048xf32, #tpu.memory_space<vmem>>, vector<16xf32>,
      %swap3A_463 = arith.index_cast %scan3A_27 : i32 to index
      %swap3A_464 = arith.constant 272 : index
      %swap3A_465 = tpu.vector_load %arg7[%swap3A_463, %swap3A_464] {strides = array<i32>} : memref<16x2048xf32, #tpu.memory_space<vmem>>, vector<16xf32>,
      tpu.vector_store %arg7[%swap3A_463, %swap3A_464], %broadcast_in_dim3A_6 {strides = array<i32>} : memref<16x2048xf32, #tpu.memory_space<vmem>>, vector<16xf32>,
      %swap3A_466 = arith.index_cast %scan3A_27 : i32 to index
      %swap3A_467 = arith.constant 288 : index
      %swap3A_468 = tpu.vector_load %arg7[%swap3A_466, %swap3A_467] {strides = array<i32>} : memref<16x2048xf32, #tpu.memory_space<vmem>>, vector<16xf32>,
      tpu.vector_store %arg7[%swap3A_466, %swap3A_467], %broadcast_in_dim3A_6 {strides = array<i32>} : memref<16x2048xf32, #tpu.memory_space<vmem>>, vector<16xf32>,
      %swap3A_469 = arith.index_cast %scan3A_27 : i32 to index
      %swap3A_470 = arith.constant 304 : index
      %swap3A_471 = tpu.vector_load %arg7[%swap3A_469, %swap3A_470] {strides = array<i32>} : memref<16x2048xf32, #tpu.memory_space<vmem>>, vector<16xf32>,
      tpu.vector_store %arg7[%swap3A_469, %swap3A_470], %broadcast_in_dim3A_6 {strides = array<i32>} : memref<16x2048xf32, #tpu.memory_space<vmem>>, vector<16xf32>,
      %swap3A_472 = arith.index_cast %scan3A_27 : i32 to index
      %swap3A_473 = arith.constant 320 : index
      %swap3A_474 = tpu.vector_load %arg7[%swap3A_472, %swap3A_473] {strides = array<i32>} : memref<16x2048xf32, #tpu.memory_space<vmem>>, vector<16xf32>,
      tpu.vector_store %arg7[%swap3A_472, %swap3A_473], %broadcast_in_dim3A_6 {strides = array<i32>} : memref<16x2048xf32, #tpu.memory_space<vmem>>, vector<16xf32>,
      %swap3A_475 = arith.index_cast %scan3A_27 : i32 to index
      %swap3A_476 = arith.constant 336 : index
      %swap3A_477 = tpu.vector_load %arg7[%swap3A_475, %swap3A_476] {strides = array<i32>} : memref<16x2048xf32, #tpu.memory_space<vmem>>, vector<16xf32>,
      tpu.vector_store %arg7[%swap3A_475, %swap3A_476], %broadcast_in_dim3A_6 {strides = array<i32>} : memref<16x2048xf32, #tpu.memory_space<vmem>>, vector<16xf32>,
      %swap3A_478 = arith.index_cast %scan3A_27 : i32 to index
      %swap3A_479 = arith.constant 352 : index
      %swap3A_480 = tpu.vector_load %arg7[%swap3A_478, %swap3A_479] {strides = array<i32>} : memref<16x2048xf32, #tpu.memory_space<vmem>>, vector<16xf32>,
      tpu.vector_store %arg7[%swap3A_478, %swap3A_479], %broadcast_in_dim3A_6 {strides = array<i32>} : memref<16x2048xf32, #tpu.memory_space<vmem>>, vector<16xf32>,
      %swap3A_481 = arith.index_cast %scan3A_27 : i32 to index
      %swap3A_482 = arith.constant 368 : index
      %swap3A_483 = tpu.vector_load %arg7[%swap3A_481, %swap3A_482] {strides = array<i32>} : memref<16x2048xf32, #tpu.memory_space<vmem>>, vector<16xf32>,
      tpu.vector_store %arg7[%swap3A_481, %swap3A_482], %broadcast_in_dim3A_6 {strides = array<i32>} : memref<16x2048xf32, #tpu.memory_space<vmem>>, vector<16xf32>,
      %swap3A_484 = arith.index_cast %scan3A_27 : i32 to index
      %swap3A_485 = arith.constant 384 : index
      %swap3A_486 = tpu.vector_load %arg7[%swap3A_484, %swap3A_485] {strides = array<i32>} : memref<16x2048xf32, #tpu.memory_space<vmem>>, vector<16xf32>,
      tpu.vector_store %arg7[%swap3A_484, %swap3A_485], %broadcast_in_dim3A_6 {strides = array<i32>} : memref<16x2048xf32, #tpu.memory_space<vmem>>, vector<16xf32>,
      %swap3A_487 = arith.index_cast %scan3A_27 : i32 to index
      %swap3A_488 = arith.constant 400 : index
      %swap3A_489 = tpu.vector_load %arg7[%swap3A_487, %swap3A_488] {strides = array<i32>} : memref<16x2048xf32, #tpu.memory_space<vmem>>, vector<16xf32>,
      tpu.vector_store %arg7[%swap3A_487, %swap3A_488], %broadcast_in_dim3A_6 {strides = array<i32>} : memref<16x2048xf32, #tpu.memory_space<vmem>>, vector<16xf32>,
      %swap3A_490 = arith.index_cast %scan3A_27 : i32 to index
      %swap3A_491 = arith.constant 416 : index
      %swap3A_492 = tpu.vector_load %arg7[%swap3A_490, %swap3A_491] {strides = array<i32>} : memref<16x2048xf32, #tpu.memory_space<vmem>>, vector<16xf32>,
      tpu.vector_store %arg7[%swap3A_490, %swap3A_491], %broadcast_in_dim3A_6 {strides = array<i32>} : memref<16x2048xf32, #tpu.memory_space<vmem>>, vector<16xf32>,
      %swap3A_493 = arith.index_cast %scan3A_27 : i32 to index
      %swap3A_494 = arith.constant 432 : index
      %swap3A_495 = tpu.vector_load %arg7[%swap3A_493, %swap3A_494] {strides = array<i32>} : memref<16x2048xf32, #tpu.memory_space<vmem>>, vector<16xf32>,
      tpu.vector_store %arg7[%swap3A_493, %swap3A_494], %broadcast_in_dim3A_6 {strides = array<i32>} : memref<16x2048xf32, #tpu.memory_space<vmem>>, vector<16xf32>,
      %swap3A_496 = arith.index_cast %scan3A_27 : i32 to index
      %swap3A_497 = arith.constant 448 : index
      %swap3A_498 = tpu.vector_load %arg7[%swap3A_496, %swap3A_497] {strides = array<i32>} : memref<16x2048xf32, #tpu.memory_space<vmem>>, vector<16xf32>,
      tpu.vector_store %arg7[%swap3A_496, %swap3A_497], %broadcast_in_dim3A_6 {strides = array<i32>} : memref<16x2048xf32, #tpu.memory_space<vmem>>, vector<16xf32>,
      %swap3A_499 = arith.index_cast %scan3A_27 : i32 to index
      %swap3A_500 = arith.constant 464 : index
      %swap3A_501 = tpu.vector_load %arg7[%swap3A_499, %swap3A_500] {strides = array<i32>} : memref<16x2048xf32, #tpu.memory_space<vmem>>, vector<16xf32>,
      tpu.vector_store %arg7[%swap3A_499, %swap3A_500], %broadcast_in_dim3A_6 {strides = array<i32>} : memref<16x2048xf32, #tpu.memory_space<vmem>>, vector<16xf32>,
      %swap3A_502 = arith.index_cast %scan3A_27 : i32 to index
      %swap3A_503 = arith.constant 480 : index
      %swap3A_504 = tpu.vector_load %arg7[%swap3A_502, %swap3A_503] {strides = array<i32>} : memref<16x2048xf32, #tpu.memory_space<vmem>>, vector<16xf32>,
      tpu.vector_store %arg7[%swap3A_502, %swap3A_503], %broadcast_in_dim3A_6 {strides = array<i32>} : memref<16x2048xf32, #tpu.memory_space<vmem>>, vector<16xf32>,
      %swap3A_505 = arith.index_cast %scan3A_27 : i32 to index
      %swap3A_506 = arith.constant 496 : index
      %swap3A_507 = tpu.vector_load %arg7[%swap3A_505, %swap3A_506] {strides = array<i32>} : memref<16x2048xf32, #tpu.memory_space<vmem>>, vector<16xf32>,
      tpu.vector_store %arg7[%swap3A_505, %swap3A_506], %broadcast_in_dim3A_6 {strides = array<i32>} : memref<16x2048xf32, #tpu.memory_space<vmem>>, vector<16xf32>,
      %swap3A_508 = arith.index_cast %scan3A_27 : i32 to index
      %swap3A_509 = arith.constant 512 : index
      %swap3A_510 = tpu.vector_load %arg7[%swap3A_508, %swap3A_509] {strides = array<i32>} : memref<16x2048xf32, #tpu.memory_space<vmem>>, vector<16xf32>,
      tpu.vector_store %arg7[%swap3A_508, %swap3A_509], %broadcast_in_dim3A_6 {strides = array<i32>} : memref<16x2048xf32, #tpu.memory_space<vmem>>, vector<16xf32>,
      %swap3A_511 = arith.index_cast %scan3A_27 : i32 to index
      %swap3A_512 = arith.constant 528 : index
      %swap3A_513 = tpu.vector_load %arg7[%swap3A_511, %swap3A_512] {strides = array<i32>} : memref<16x2048xf32, #tpu.memory_space<vmem>>, vector<16xf32>,
      tpu.vector_store %arg7[%swap3A_511, %swap3A_512], %broadcast_in_dim3A_6 {strides = array<i32>} : memref<16x2048xf32, #tpu.memory_space<vmem>>, vector<16xf32>,
      %swap3A_514 = arith.index_cast %scan3A_27 : i32 to index
      %swap3A_515 = arith.constant 544 : index
      %swap3A_516 = tpu.vector_load %arg7[%swap3A_514, %swap3A_515] {strides = array<i32>} : memref<16x2048xf32, #tpu.memory_space<vmem>>, vector<16xf32>,
      tpu.vector_store %arg7[%swap3A_514, %swap3A_515], %broadcast_in_dim3A_6 {strides = array<i32>} : memref<16x2048xf32, #tpu.memory_space<vmem>>, vector<16xf32>,
      %swap3A_517 = arith.index_cast %scan3A_27 : i32 to index
      %swap3A_518 = arith.constant 560 : index
      %swap3A_519 = tpu.vector_load %arg7[%swap3A_517, %swap3A_518] {strides = array<i32>} : memref<16x2048xf32, #tpu.memory_space<vmem>>, vector<16xf32>,
      tpu.vector_store %arg7[%swap3A_517, %swap3A_518], %broadcast_in_dim3A_6 {strides = array<i32>} : memref<16x2048xf32, #tpu.memory_space<vmem>>, vector<16xf32>,
      %swap3A_520 = arith.index_cast %scan3A_27 : i32 to index
      %swap3A_521 = arith.constant 576 : index
      %swap3A_522 = tpu.vector_load %arg7[%swap3A_520, %swap3A_521] {strides = array<i32>} : memref<16x2048xf32, #tpu.memory_space<vmem>>, vector<16xf32>,
      tpu.vector_store %arg7[%swap3A_520, %swap3A_521], %broadcast_in_dim3A_6 {strides = array<i32>} : memref<16x2048xf32, #tpu.memory_space<vmem>>, vector<16xf32>,
      %swap3A_523 = arith.index_cast %scan3A_27 : i32 to index
      %swap3A_524 = arith.constant 592 : index
      %swap3A_525 = tpu.vector_load %arg7[%swap3A_523, %swap3A_524] {strides = array<i32>} : memref<16x2048xf32, #tpu.memory_space<vmem>>, vector<16xf32>,
      tpu.vector_store %arg7[%swap3A_523, %swap3A_524], %broadcast_in_dim3A_6 {strides = array<i32>} : memref<16x2048xf32, #tpu.memory_space<vmem>>, vector<16xf32>,
      %swap3A_526 = arith.index_cast %scan3A_27 : i32 to index
      %swap3A_527 = arith.constant 608 : index
      %swap3A_528 = tpu.vector_load %arg7[%swap3A_526, %swap3A_527] {strides = array<i32>} : memref<16x2048xf32, #tpu.memory_space<vmem>>, vector<16xf32>,
      tpu.vector_store %arg7[%swap3A_526, %swap3A_527], %broadcast_in_dim3A_6 {strides = array<i32>} : memref<16x2048xf32, #tpu.memory_space<vmem>>, vector<16xf32>,
      %swap3A_529 = arith.index_cast %scan3A_27 : i32 to index
      %swap3A_530 = arith.constant 624 : index
      %swap3A_531 = tpu.vector_load %arg7[%swap3A_529, %swap3A_530] {strides = array<i32>} : memref<16x2048xf32, #tpu.memory_space<vmem>>, vector<16xf32>,
      tpu.vector_store %arg7[%swap3A_529, %swap3A_530], %broadcast_in_dim3A_6 {strides = array<i32>} : memref<16x2048xf32, #tpu.memory_space<vmem>>, vector<16xf32>,
      %swap3A_532 = arith.index_cast %scan3A_27 : i32 to index
      %swap3A_533 = arith.constant 640 : index
      %swap3A_534 = tpu.vector_load %arg7[%swap3A_532, %swap3A_533] {strides = array<i32>} : memref<16x2048xf32, #tpu.memory_space<vmem>>, vector<16xf32>,
      tpu.vector_store %arg7[%swap3A_532, %swap3A_533], %broadcast_in_dim3A_6 {strides = array<i32>} : memref<16x2048xf32, #tpu.memory_space<vmem>>, vector<16xf32>,
      %swap3A_535 = arith.index_cast %scan3A_27 : i32 to index
      %swap3A_536 = arith.constant 656 : index
      %swap3A_537 = tpu.vector_load %arg7[%swap3A_535, %swap3A_536] {strides = array<i32>} : memref<16x2048xf32, #tpu.memory_space<vmem>>, vector<16xf32>,
      tpu.vector_store %arg7[%swap3A_535, %swap3A_536], %broadcast_in_dim3A_6 {strides = array<i32>} : memref<16x2048xf32, #tpu.memory_space<vmem>>, vector<16xf32>,
      %swap3A_538 = arith.index_cast %scan3A_27 : i32 to index
      %swap3A_539 = arith.constant 672 : index
      %swap3A_540 = tpu.vector_load %arg7[%swap3A_538, %swap3A_539] {strides = array<i32>} : memref<16x2048xf32, #tpu.memory_space<vmem>>, vector<16xf32>,
      tpu.vector_store %arg7[%swap3A_538, %swap3A_539], %broadcast_in_dim3A_6 {strides = array<i32>} : memref<16x2048xf32, #tpu.memory_space<vmem>>, vector<16xf32>,
      %swap3A_541 = arith.index_cast %scan3A_27 : i32 to index
      %swap3A_542 = arith.constant 688 : index
      %swap3A_543 = tpu.vector_load %arg7[%swap3A_541, %swap3A_542] {strides = array<i32>} : memref<16x2048xf32, #tpu.memory_space<vmem>>, vector<16xf32>,
      tpu.vector_store %arg7[%swap3A_541, %swap3A_542], %broadcast_in_dim3A_6 {strides = array<i32>} : memref<16x2048xf32, #tpu.memory_space<vmem>>, vector<16xf32>,
      %swap3A_544 = arith.index_cast %scan3A_27 : i32 to index
      %swap3A_545 = arith.constant 704 : index
      %swap3A_546 = tpu.vector_load %arg7[%swap3A_544, %swap3A_545] {strides = array<i32>} : memref<16x2048xf32, #tpu.memory_space<vmem>>, vector<16xf32>,
      tpu.vector_store %arg7[%swap3A_544, %swap3A_545], %broadcast_in_dim3A_6 {strides = array<i32>} : memref<16x2048xf32, #tpu.memory_space<vmem>>, vector<16xf32>,
      %swap3A_547 = arith.index_cast %scan3A_27 : i32 to index
      %swap3A_548 = arith.constant 720 : index
      %swap3A_549 = tpu.vector_load %arg7[%swap3A_547, %swap3A_548] {strides = array<i32>} : memref<16x2048xf32, #tpu.memory_space<vmem>>, vector<16xf32>,
      tpu.vector_store %arg7[%swap3A_547, %swap3A_548], %broadcast_in_dim3A_6 {strides = array<i32>} : memref<16x2048xf32, #tpu.memory_space<vmem>>, vector<16xf32>,
      %swap3A_550 = arith.index_cast %scan3A_27 : i32 to index
      %swap3A_551 = arith.constant 736 : index
      %swap3A_552 = tpu.vector_load %arg7[%swap3A_550, %swap3A_551] {strides = array<i32>} : memref<16x2048xf32, #tpu.memory_space<vmem>>, vector<16xf32>,
      tpu.vector_store %arg7[%swap3A_550, %swap3A_551], %broadcast_in_dim3A_6 {strides = array<i32>} : memref<16x2048xf32, #tpu.memory_space<vmem>>, vector<16xf32>,
      %swap3A_553 = arith.index_cast %scan3A_27 : i32 to index
      %swap3A_554 = arith.constant 752 : index
      %swap3A_555 = tpu.vector_load %arg7[%swap3A_553, %swap3A_554] {strides = array<i32>} : memref<16x2048xf32, #tpu.memory_space<vmem>>, vector<16xf32>,
      tpu.vector_store %arg7[%swap3A_553, %swap3A_554], %broadcast_in_dim3A_6 {strides = array<i32>} : memref<16x2048xf32, #tpu.memory_space<vmem>>, vector<16xf32>,
      %swap3A_556 = arith.index_cast %scan3A_27 : i32 to index
      %swap3A_557 = arith.constant 768 : index
      %swap3A_558 = tpu.vector_load %arg7[%swap3A_556, %swap3A_557] {strides = array<i32>} : memref<16x2048xf32, #tpu.memory_space<vmem>>, vector<16xf32>,
      tpu.vector_store %arg7[%swap3A_556, %swap3A_557], %broadcast_in_dim3A_6 {strides = array<i32>} : memref<16x2048xf32, #tpu.memory_space<vmem>>, vector<16xf32>,
      %swap3A_559 = arith.index_cast %scan3A_27 : i32 to index
      %swap3A_560 = arith.constant 784 : index
      %swap3A_561 = tpu.vector_load %arg7[%swap3A_559, %swap3A_560] {strides = array<i32>} : memref<16x2048xf32, #tpu.memory_space<vmem>>, vector<16xf32>,
      tpu.vector_store %arg7[%swap3A_559, %swap3A_560], %broadcast_in_dim3A_6 {strides = array<i32>} : memref<16x2048xf32, #tpu.memory_space<vmem>>, vector<16xf32>,
      %swap3A_562 = arith.index_cast %scan3A_27 : i32 to index
      %swap3A_563 = arith.constant 800 : index
      %swap3A_564 = tpu.vector_load %arg7[%swap3A_562, %swap3A_563] {strides = array<i32>} : memref<16x2048xf32, #tpu.memory_space<vmem>>, vector<16xf32>,
      tpu.vector_store %arg7[%swap3A_562, %swap3A_563], %broadcast_in_dim3A_6 {strides = array<i32>} : memref<16x2048xf32, #tpu.memory_space<vmem>>, vector<16xf32>,
      %swap3A_565 = arith.index_cast %scan3A_27 : i32 to index
      %swap3A_566 = arith.constant 816 : index
      %swap3A_567 = tpu.vector_load %arg7[%swap3A_565, %swap3A_566] {strides = array<i32>} : memref<16x2048xf32, #tpu.memory_space<vmem>>, vector<16xf32>,
      tpu.vector_store %arg7[%swap3A_565, %swap3A_566], %broadcast_in_dim3A_6 {strides = array<i32>} : memref<16x2048xf32, #tpu.memory_space<vmem>>, vector<16xf32>,
      %swap3A_568 = arith.index_cast %scan3A_27 : i32 to index
      %swap3A_569 = arith.constant 832 : index
      %swap3A_570 = tpu.vector_load %arg7[%swap3A_568, %swap3A_569] {strides = array<i32>} : memref<16x2048xf32, #tpu.memory_space<vmem>>, vector<16xf32>,
      tpu.vector_store %arg7[%swap3A_568, %swap3A_569], %broadcast_in_dim3A_6 {strides = array<i32>} : memref<16x2048xf32, #tpu.memory_space<vmem>>, vector<16xf32>,
      %swap3A_571 = arith.index_cast %scan3A_27 : i32 to index
      %swap3A_572 = arith.constant 848 : index
      %swap3A_573 = tpu.vector_load %arg7[%swap3A_571, %swap3A_572] {strides = array<i32>} : memref<16x2048xf32, #tpu.memory_space<vmem>>, vector<16xf32>,
      tpu.vector_store %arg7[%swap3A_571, %swap3A_572], %broadcast_in_dim3A_6 {strides = array<i32>} : memref<16x2048xf32, #tpu.memory_space<vmem>>, vector<16xf32>,
      %swap3A_574 = arith.index_cast %scan3A_27 : i32 to index
      %swap3A_575 = arith.constant 864 : index
      %swap3A_576 = tpu.vector_load %arg7[%swap3A_574, %swap3A_575] {strides = array<i32>} : memref<16x2048xf32, #tpu.memory_space<vmem>>, vector<16xf32>,
      tpu.vector_store %arg7[%swap3A_574, %swap3A_575], %broadcast_in_dim3A_6 {strides = array<i32>} : memref<16x2048xf32, #tpu.memory_space<vmem>>, vector<16xf32>,
      %swap3A_577 = arith.index_cast %scan3A_27 : i32 to index
      %swap3A_578 = arith.constant 880 : index
      %swap3A_579 = tpu.vector_load %arg7[%swap3A_577, %swap3A_578] {strides = array<i32>} : memref<16x2048xf32, #tpu.memory_space<vmem>>, vector<16xf32>,
      tpu.vector_store %arg7[%swap3A_577, %swap3A_578], %broadcast_in_dim3A_6 {strides = array<i32>} : memref<16x2048xf32, #tpu.memory_space<vmem>>, vector<16xf32>,
      %swap3A_580 = arith.index_cast %scan3A_27 : i32 to index
      %swap3A_581 = arith.constant 896 : index
      %swap3A_582 = tpu.vector_load %arg7[%swap3A_580, %swap3A_581] {strides = array<i32>} : memref<16x2048xf32, #tpu.memory_space<vmem>>, vector<16xf32>,
      tpu.vector_store %arg7[%swap3A_580, %swap3A_581], %broadcast_in_dim3A_6 {strides = array<i32>} : memref<16x2048xf32, #tpu.memory_space<vmem>>, vector<16xf32>,
      %swap3A_583 = arith.index_cast %scan3A_27 : i32 to index
      %swap3A_584 = arith.constant 912 : index
      %swap3A_585 = tpu.vector_load %arg7[%swap3A_583, %swap3A_584] {strides = array<i32>} : memref<16x2048xf32, #tpu.memory_space<vmem>>, vector<16xf32>,
      tpu.vector_store %arg7[%swap3A_583, %swap3A_584], %broadcast_in_dim3A_6 {strides = array<i32>} : memref<16x2048xf32, #tpu.memory_space<vmem>>, vector<16xf32>,
      %swap3A_586 = arith.index_cast %scan3A_27 : i32 to index
      %swap3A_587 = arith.constant 928 : index
      %swap3A_588 = tpu.vector_load %arg7[%swap3A_586, %swap3A_587] {strides = array<i32>} : memref<16x2048xf32, #tpu.memory_space<vmem>>, vector<16xf32>,
      tpu.vector_store %arg7[%swap3A_586, %swap3A_587], %broadcast_in_dim3A_6 {strides = array<i32>} : memref<16x2048xf32, #tpu.memory_space<vmem>>, vector<16xf32>,
      %swap3A_589 = arith.index_cast %scan3A_27 : i32 to index
      %swap3A_590 = arith.constant 944 : index
      %swap3A_591 = tpu.vector_load %arg7[%swap3A_589, %swap3A_590] {strides = array<i32>} : memref<16x2048xf32, #tpu.memory_space<vmem>>, vector<16xf32>,
      tpu.vector_store %arg7[%swap3A_589, %swap3A_590], %broadcast_in_dim3A_6 {strides = array<i32>} : memref<16x2048xf32, #tpu.memory_space<vmem>>, vector<16xf32>,
      %swap3A_592 = arith.index_cast %scan3A_27 : i32 to index
      %swap3A_593 = arith.constant 960 : index
      %swap3A_594 = tpu.vector_load %arg7[%swap3A_592, %swap3A_593] {strides = array<i32>} : memref<16x2048xf32, #tpu.memory_space<vmem>>, vector<16xf32>,
      tpu.vector_store %arg7[%swap3A_592, %swap3A_593], %broadcast_in_dim3A_6 {strides = array<i32>} : memref<16x2048xf32, #tpu.memory_space<vmem>>, vector<16xf32>,
      %swap3A_595 = arith.index_cast %scan3A_27 : i32 to index
      %swap3A_596 = arith.constant 976 : index
      %swap3A_597 = tpu.vector_load %arg7[%swap3A_595, %swap3A_596] {strides = array<i32>} : memref<16x2048xf32, #tpu.memory_space<vmem>>, vector<16xf32>,
      tpu.vector_store %arg7[%swap3A_595, %swap3A_596], %broadcast_in_dim3A_6 {strides = array<i32>} : memref<16x2048xf32, #tpu.memory_space<vmem>>, vector<16xf32>,
      %swap3A_598 = arith.index_cast %scan3A_27 : i32 to index
      %swap3A_599 = arith.constant 992 : index
      %swap3A_600 = tpu.vector_load %arg7[%swap3A_598, %swap3A_599] {strides = array<i32>} : memref<16x2048xf32, #tpu.memory_space<vmem>>, vector<16xf32>,
      tpu.vector_store %arg7[%swap3A_598, %swap3A_599], %broadcast_in_dim3A_6 {strides = array<i32>} : memref<16x2048xf32, #tpu.memory_space<vmem>>, vector<16xf32>,
      %swap3A_601 = arith.index_cast %scan3A_27 : i32 to index
      %swap3A_602 = arith.constant 1008 : index
      %swap3A_603 = tpu.vector_load %arg7[%swap3A_601, %swap3A_602] {strides = array<i32>} : memref<16x2048xf32, #tpu.memory_space<vmem>>, vector<16xf32>,
      tpu.vector_store %arg7[%swap3A_601, %swap3A_602], %broadcast_in_dim3A_6 {strides = array<i32>} : memref<16x2048xf32, #tpu.memory_space<vmem>>, vector<16xf32>,
      %swap3A_604 = arith.index_cast %scan3A_27 : i32 to index
      %swap3A_605 = arith.constant 1024 : index
      %swap3A_606 = tpu.vector_load %arg7[%swap3A_604, %swap3A_605] {strides = array<i32>} : memref<16x2048xf32, #tpu.memory_space<vmem>>, vector<16xf32>,
      tpu.vector_store %arg7[%swap3A_604, %swap3A_605], %broadcast_in_dim3A_6 {strides = array<i32>} : memref<16x2048xf32, #tpu.memory_space<vmem>>, vector<16xf32>,
      %swap3A_607 = arith.index_cast %scan3A_27 : i32 to index
      %swap3A_608 = arith.constant 1040 : index
      %swap3A_609 = tpu.vector_load %arg7[%swap3A_607, %swap3A_608] {strides = array<i32>} : memref<16x2048xf32, #tpu.memory_space<vmem>>, vector<16xf32>,
      tpu.vector_store %arg7[%swap3A_607, %swap3A_608], %broadcast_in_dim3A_6 {strides = array<i32>} : memref<16x2048xf32, #tpu.memory_space<vmem>>, vector<16xf32>,
      %swap3A_610 = arith.index_cast %scan3A_27 : i32 to index
      %swap3A_611 = arith.constant 1056 : index
      %swap3A_612 = tpu.vector_load %arg7[%swap3A_610, %swap3A_611] {strides = array<i32>} : memref<16x2048xf32, #tpu.memory_space<vmem>>, vector<16xf32>,
      tpu.vector_store %arg7[%swap3A_610, %swap3A_611], %broadcast_in_dim3A_6 {strides = array<i32>} : memref<16x2048xf32, #tpu.memory_space<vmem>>, vector<16xf32>,
      %swap3A_613 = arith.index_cast %scan3A_27 : i32 to index
      %swap3A_614 = arith.constant 1072 : index
      %swap3A_615 = tpu.vector_load %arg7[%swap3A_613, %swap3A_614] {strides = array<i32>} : memref<16x2048xf32, #tpu.memory_space<vmem>>, vector<16xf32>,
      tpu.vector_store %arg7[%swap3A_613, %swap3A_614], %broadcast_in_dim3A_6 {strides = array<i32>} : memref<16x2048xf32, #tpu.memory_space<vmem>>, vector<16xf32>,
      %swap3A_616 = arith.index_cast %scan3A_27 : i32 to index
      %swap3A_617 = arith.constant 1088 : index
      %swap3A_618 = tpu.vector_load %arg7[%swap3A_616, %swap3A_617] {strides = array<i32>} : memref<16x2048xf32, #tpu.memory_space<vmem>>, vector<16xf32>,
      tpu.vector_store %arg7[%swap3A_616, %swap3A_617], %broadcast_in_dim3A_6 {strides = array<i32>} : memref<16x2048xf32, #tpu.memory_space<vmem>>, vector<16xf32>,
      %swap3A_619 = arith.index_cast %scan3A_27 : i32 to index
      %swap3A_620 = arith.constant 1104 : index
      %swap3A_621 = tpu.vector_load %arg7[%swap3A_619, %swap3A_620] {strides = array<i32>} : memref<16x2048xf32, #tpu.memory_space<vmem>>, vector<16xf32>,
      tpu.vector_store %arg7[%swap3A_619, %swap3A_620], %broadcast_in_dim3A_6 {strides = array<i32>} : memref<16x2048xf32, #tpu.memory_space<vmem>>, vector<16xf32>,
      %swap3A_622 = arith.index_cast %scan3A_27 : i32 to index
      %swap3A_623 = arith.constant 1120 : index
      %swap3A_624 = tpu.vector_load %arg7[%swap3A_622, %swap3A_623] {strides = array<i32>} : memref<16x2048xf32, #tpu.memory_space<vmem>>, vector<16xf32>,
      tpu.vector_store %arg7[%swap3A_622, %swap3A_623], %broadcast_in_dim3A_6 {strides = array<i32>} : memref<16x2048xf32, #tpu.memory_space<vmem>>, vector<16xf32>,
      %swap3A_625 = arith.index_cast %scan3A_27 : i32 to index
      %swap3A_626 = arith.constant 1136 : index
      %swap3A_627 = tpu.vector_load %arg7[%swap3A_625, %swap3A_626] {strides = array<i32>} : memref<16x2048xf32, #tpu.memory_space<vmem>>, vector<16xf32>,
      tpu.vector_store %arg7[%swap3A_625, %swap3A_626], %broadcast_in_dim3A_6 {strides = array<i32>} : memref<16x2048xf32, #tpu.memory_space<vmem>>, vector<16xf32>,
      %swap3A_628 = arith.index_cast %scan3A_27 : i32 to index
      %swap3A_629 = arith.constant 1152 : index
      %swap3A_630 = tpu.vector_load %arg7[%swap3A_628, %swap3A_629] {strides = array<i32>} : memref<16x2048xf32, #tpu.memory_space<vmem>>, vector<16xf32>,
      tpu.vector_store %arg7[%swap3A_628, %swap3A_629], %broadcast_in_dim3A_6 {strides = array<i32>} : memref<16x2048xf32, #tpu.memory_space<vmem>>, vector<16xf32>,
      %swap3A_631 = arith.index_cast %scan3A_27 : i32 to index
      %swap3A_632 = arith.constant 1168 : index
      %swap3A_633 = tpu.vector_load %arg7[%swap3A_631, %swap3A_632] {strides = array<i32>} : memref<16x2048xf32, #tpu.memory_space<vmem>>, vector<16xf32>,
      tpu.vector_store %arg7[%swap3A_631, %swap3A_632], %broadcast_in_dim3A_6 {strides = array<i32>} : memref<16x2048xf32, #tpu.memory_space<vmem>>, vector<16xf32>,
      %swap3A_634 = arith.index_cast %scan3A_27 : i32 to index
      %swap3A_635 = arith.constant 1184 : index
      %swap3A_636 = tpu.vector_load %arg7[%swap3A_634, %swap3A_635] {strides = array<i32>} : memref<16x2048xf32, #tpu.memory_space<vmem>>, vector<16xf32>,
      tpu.vector_store %arg7[%swap3A_634, %swap3A_635], %broadcast_in_dim3A_6 {strides = array<i32>} : memref<16x2048xf32, #tpu.memory_space<vmem>>, vector<16xf32>,
      %swap3A_637 = arith.index_cast %scan3A_27 : i32 to index
      %swap3A_638 = arith.constant 1200 : index
      %swap3A_639 = tpu.vector_load %arg7[%swap3A_637, %swap3A_638] {strides = array<i32>} : memref<16x2048xf32, #tpu.memory_space<vmem>>, vector<16xf32>,
      tpu.vector_store %arg7[%swap3A_637, %swap3A_638], %broadcast_in_dim3A_6 {strides = array<i32>} : memref<16x2048xf32, #tpu.memory_space<vmem>>, vector<16xf32>,
      %swap3A_640 = arith.index_cast %scan3A_27 : i32 to index
      %swap3A_641 = arith.constant 1216 : index
      %swap3A_642 = tpu.vector_load %arg7[%swap3A_640, %swap3A_641] {strides = array<i32>} : memref<16x2048xf32, #tpu.memory_space<vmem>>, vector<16xf32>,
      tpu.vector_store %arg7[%swap3A_640, %swap3A_641], %broadcast_in_dim3A_6 {strides = array<i32>} : memref<16x2048xf32, #tpu.memory_space<vmem>>, vector<16xf32>,
      %swap3A_643 = arith.index_cast %scan3A_27 : i32 to index
      %swap3A_644 = arith.constant 1232 : index
      %swap3A_645 = tpu.vector_load %arg7[%swap3A_643, %swap3A_644] {strides = array<i32>} : memref<16x2048xf32, #tpu.memory_space<vmem>>, vector<16xf32>,
      tpu.vector_store %arg7[%swap3A_643, %swap3A_644], %broadcast_in_dim3A_6 {strides = array<i32>} : memref<16x2048xf32, #tpu.memory_space<vmem>>, vector<16xf32>,
      %swap3A_646 = arith.index_cast %scan3A_27 : i32 to index
      %swap3A_647 = arith.constant 1248 : index
      %swap3A_648 = tpu.vector_load %arg7[%swap3A_646, %swap3A_647] {strides = array<i32>} : memref<16x2048xf32, #tpu.memory_space<vmem>>, vector<16xf32>,
      tpu.vector_store %arg7[%swap3A_646, %swap3A_647], %broadcast_in_dim3A_6 {strides = array<i32>} : memref<16x2048xf32, #tpu.memory_space<vmem>>, vector<16xf32>,
      %swap3A_649 = arith.index_cast %scan3A_27 : i32 to index
      %swap3A_650 = arith.constant 1264 : index
      %swap3A_651 = tpu.vector_load %arg7[%swap3A_649, %swap3A_650] {strides = array<i32>} : memref<16x2048xf32, #tpu.memory_space<vmem>>, vector<16xf32>,
      tpu.vector_store %arg7[%swap3A_649, %swap3A_650], %broadcast_in_dim3A_6 {strides = array<i32>} : memref<16x2048xf32, #tpu.memory_space<vmem>>, vector<16xf32>,
      %swap3A_652 = arith.index_cast %scan3A_27 : i32 to index
      %swap3A_653 = arith.constant 1280 : index
      %swap3A_654 = tpu.vector_load %arg7[%swap3A_652, %swap3A_653] {strides = array<i32>} : memref<16x2048xf32, #tpu.memory_space<vmem>>, vector<16xf32>,
      tpu.vector_store %arg7[%swap3A_652, %swap3A_653], %broadcast_in_dim3A_6 {strides = array<i32>} : memref<16x2048xf32, #tpu.memory_space<vmem>>, vector<16xf32>,
      %swap3A_655 = arith.index_cast %scan3A_27 : i32 to index
      %swap3A_656 = arith.constant 1296 : index
      %swap3A_657 = tpu.vector_load %arg7[%swap3A_655, %swap3A_656] {strides = array<i32>} : memref<16x2048xf32, #tpu.memory_space<vmem>>, vector<16xf32>,
      tpu.vector_store %arg7[%swap3A_655, %swap3A_656], %broadcast_in_dim3A_6 {strides = array<i32>} : memref<16x2048xf32, #tpu.memory_space<vmem>>, vector<16xf32>,
      %swap3A_658 = arith.index_cast %scan3A_27 : i32 to index
      %swap3A_659 = arith.constant 1312 : index
      %swap3A_660 = tpu.vector_load %arg7[%swap3A_658, %swap3A_659] {strides = array<i32>} : memref<16x2048xf32, #tpu.memory_space<vmem>>, vector<16xf32>,
      tpu.vector_store %arg7[%swap3A_658, %swap3A_659], %broadcast_in_dim3A_6 {strides = array<i32>} : memref<16x2048xf32, #tpu.memory_space<vmem>>, vector<16xf32>,
      %swap3A_661 = arith.index_cast %scan3A_27 : i32 to index
      %swap3A_662 = arith.constant 1328 : index
      %swap3A_663 = tpu.vector_load %arg7[%swap3A_661, %swap3A_662] {strides = array<i32>} : memref<16x2048xf32, #tpu.memory_space<vmem>>, vector<16xf32>,
      tpu.vector_store %arg7[%swap3A_661, %swap3A_662], %broadcast_in_dim3A_6 {strides = array<i32>} : memref<16x2048xf32, #tpu.memory_space<vmem>>, vector<16xf32>,
      %swap3A_664 = arith.index_cast %scan3A_27 : i32 to index
      %swap3A_665 = arith.constant 1344 : index
      %swap3A_666 = tpu.vector_load %arg7[%swap3A_664, %swap3A_665] {strides = array<i32>} : memref<16x2048xf32, #tpu.memory_space<vmem>>, vector<16xf32>,
      tpu.vector_store %arg7[%swap3A_664, %swap3A_665], %broadcast_in_dim3A_6 {strides = array<i32>} : memref<16x2048xf32, #tpu.memory_space<vmem>>, vector<16xf32>,
      %swap3A_667 = arith.index_cast %scan3A_27 : i32 to index
      %swap3A_668 = arith.constant 1360 : index
      %swap3A_669 = tpu.vector_load %arg7[%swap3A_667, %swap3A_668] {strides = array<i32>} : memref<16x2048xf32, #tpu.memory_space<vmem>>, vector<16xf32>,
      tpu.vector_store %arg7[%swap3A_667, %swap3A_668], %broadcast_in_dim3A_6 {strides = array<i32>} : memref<16x2048xf32, #tpu.memory_space<vmem>>, vector<16xf32>,
      %swap3A_670 = arith.index_cast %scan3A_27 : i32 to index
      %swap3A_671 = arith.constant 1376 : index
      %swap3A_672 = tpu.vector_load %arg7[%swap3A_670, %swap3A_671] {strides = array<i32>} : memref<16x2048xf32, #tpu.memory_space<vmem>>, vector<16xf32>,
      tpu.vector_store %arg7[%swap3A_670, %swap3A_671], %broadcast_in_dim3A_6 {strides = array<i32>} : memref<16x2048xf32, #tpu.memory_space<vmem>>, vector<16xf32>,
      %swap3A_673 = arith.index_cast %scan3A_27 : i32 to index
      %swap3A_674 = arith.constant 1392 : index
      %swap3A_675 = tpu.vector_load %arg7[%swap3A_673, %swap3A_674] {strides = array<i32>} : memref<16x2048xf32, #tpu.memory_space<vmem>>, vector<16xf32>,
      tpu.vector_store %arg7[%swap3A_673, %swap3A_674], %broadcast_in_dim3A_6 {strides = array<i32>} : memref<16x2048xf32, #tpu.memory_space<vmem>>, vector<16xf32>,
      %swap3A_676 = arith.index_cast %scan3A_27 : i32 to index
      %swap3A_677 = arith.constant 1408 : index
      %swap3A_678 = tpu.vector_load %arg7[%swap3A_676, %swap3A_677] {strides = array<i32>} : memref<16x2048xf32, #tpu.memory_space<vmem>>, vector<16xf32>,
      tpu.vector_store %arg7[%swap3A_676, %swap3A_677], %broadcast_in_dim3A_6 {strides = array<i32>} : memref<16x2048xf32, #tpu.memory_space<vmem>>, vector<16xf32>,
      %swap3A_679 = arith.index_cast %scan3A_27 : i32 to index
      %swap3A_680 = arith.constant 1424 : index
      %swap3A_681 = tpu.vector_load %arg7[%swap3A_679, %swap3A_680] {strides = array<i32>} : memref<16x2048xf32, #tpu.memory_space<vmem>>, vector<16xf32>,
      tpu.vector_store %arg7[%swap3A_679, %swap3A_680], %broadcast_in_dim3A_6 {strides = array<i32>} : memref<16x2048xf32, #tpu.memory_space<vmem>>, vector<16xf32>,
      %swap3A_682 = arith.index_cast %scan3A_27 : i32 to index
      %swap3A_683 = arith.constant 1440 : index
      %swap3A_684 = tpu.vector_load %arg7[%swap3A_682, %swap3A_683] {strides = array<i32>} : memref<16x2048xf32, #tpu.memory_space<vmem>>, vector<16xf32>,
      tpu.vector_store %arg7[%swap3A_682, %swap3A_683], %broadcast_in_dim3A_6 {strides = array<i32>} : memref<16x2048xf32, #tpu.memory_space<vmem>>, vector<16xf32>,
      %swap3A_685 = arith.index_cast %scan3A_27 : i32 to index
      %swap3A_686 = arith.constant 1456 : index
      %swap3A_687 = tpu.vector_load %arg7[%swap3A_685, %swap3A_686] {strides = array<i32>} : memref<16x2048xf32, #tpu.memory_space<vmem>>, vector<16xf32>,
      tpu.vector_store %arg7[%swap3A_685, %swap3A_686], %broadcast_in_dim3A_6 {strides = array<i32>} : memref<16x2048xf32, #tpu.memory_space<vmem>>, vector<16xf32>,
      %swap3A_688 = arith.index_cast %scan3A_27 : i32 to index
      %swap3A_689 = arith.constant 1472 : index
      %swap3A_690 = tpu.vector_load %arg7[%swap3A_688, %swap3A_689] {strides = array<i32>} : memref<16x2048xf32, #tpu.memory_space<vmem>>, vector<16xf32>,
      tpu.vector_store %arg7[%swap3A_688, %swap3A_689], %broadcast_in_dim3A_6 {strides = array<i32>} : memref<16x2048xf32, #tpu.memory_space<vmem>>, vector<16xf32>,
      %swap3A_691 = arith.index_cast %scan3A_27 : i32 to index
      %swap3A_692 = arith.constant 1488 : index
      %swap3A_693 = tpu.vector_load %arg7[%swap3A_691, %swap3A_692] {strides = array<i32>} : memref<16x2048xf32, #tpu.memory_space<vmem>>, vector<16xf32>,
      tpu.vector_store %arg7[%swap3A_691, %swap3A_692], %broadcast_in_dim3A_6 {strides = array<i32>} : memref<16x2048xf32, #tpu.memory_space<vmem>>, vector<16xf32>,
      %swap3A_694 = arith.index_cast %scan3A_27 : i32 to index
      %swap3A_695 = arith.constant 1504 : index
      %swap3A_696 = tpu.vector_load %arg7[%swap3A_694, %swap3A_695] {strides = array<i32>} : memref<16x2048xf32, #tpu.memory_space<vmem>>, vector<16xf32>,
      tpu.vector_store %arg7[%swap3A_694, %swap3A_695], %broadcast_in_dim3A_6 {strides = array<i32>} : memref<16x2048xf32, #tpu.memory_space<vmem>>, vector<16xf32>,
      %swap3A_697 = arith.index_cast %scan3A_27 : i32 to index
      %swap3A_698 = arith.constant 1520 : index
      %swap3A_699 = tpu.vector_load %arg7[%swap3A_697, %swap3A_698] {strides = array<i32>} : memref<16x2048xf32, #tpu.memory_space<vmem>>, vector<16xf32>,
      tpu.vector_store %arg7[%swap3A_697, %swap3A_698], %broadcast_in_dim3A_6 {strides = array<i32>} : memref<16x2048xf32, #tpu.memory_space<vmem>>, vector<16xf32>,
      %swap3A_700 = arith.index_cast %scan3A_27 : i32 to index
      %swap3A_701 = arith.constant 1536 : index
      %swap3A_702 = tpu.vector_load %arg7[%swap3A_700, %swap3A_701] {strides = array<i32>} : memref<16x2048xf32, #tpu.memory_space<vmem>>, vector<16xf32>,
      tpu.vector_store %arg7[%swap3A_700, %swap3A_701], %broadcast_in_dim3A_6 {strides = array<i32>} : memref<16x2048xf32, #tpu.memory_space<vmem>>, vector<16xf32>,
      %swap3A_703 = arith.index_cast %scan3A_27 : i32 to index
      %swap3A_704 = arith.constant 1552 : index
      %swap3A_705 = tpu.vector_load %arg7[%swap3A_703, %swap3A_704] {strides = array<i32>} : memref<16x2048xf32, #tpu.memory_space<vmem>>, vector<16xf32>,
      tpu.vector_store %arg7[%swap3A_703, %swap3A_704], %broadcast_in_dim3A_6 {strides = array<i32>} : memref<16x2048xf32, #tpu.memory_space<vmem>>, vector<16xf32>,
      %swap3A_706 = arith.index_cast %scan3A_27 : i32 to index
      %swap3A_707 = arith.constant 1568 : index
      %swap3A_708 = tpu.vector_load %arg7[%swap3A_706, %swap3A_707] {strides = array<i32>} : memref<16x2048xf32, #tpu.memory_space<vmem>>, vector<16xf32>,
      tpu.vector_store %arg7[%swap3A_706, %swap3A_707], %broadcast_in_dim3A_6 {strides = array<i32>} : memref<16x2048xf32, #tpu.memory_space<vmem>>, vector<16xf32>,
      %swap3A_709 = arith.index_cast %scan3A_27 : i32 to index
      %swap3A_710 = arith.constant 1584 : index
      %swap3A_711 = tpu.vector_load %arg7[%swap3A_709, %swap3A_710] {strides = array<i32>} : memref<16x2048xf32, #tpu.memory_space<vmem>>, vector<16xf32>,
      tpu.vector_store %arg7[%swap3A_709, %swap3A_710], %broadcast_in_dim3A_6 {strides = array<i32>} : memref<16x2048xf32, #tpu.memory_space<vmem>>, vector<16xf32>,
      %swap3A_712 = arith.index_cast %scan3A_27 : i32 to index
      %swap3A_713 = arith.constant 1600 : index
      %swap3A_714 = tpu.vector_load %arg7[%swap3A_712, %swap3A_713] {strides = array<i32>} : memref<16x2048xf32, #tpu.memory_space<vmem>>, vector<16xf32>,
      tpu.vector_store %arg7[%swap3A_712, %swap3A_713], %broadcast_in_dim3A_6 {strides = array<i32>} : memref<16x2048xf32, #tpu.memory_space<vmem>>, vector<16xf32>,
      %swap3A_715 = arith.index_cast %scan3A_27 : i32 to index
      %swap3A_716 = arith.constant 1616 : index
      %swap3A_717 = tpu.vector_load %arg7[%swap3A_715, %swap3A_716] {strides = array<i32>} : memref<16x2048xf32, #tpu.memory_space<vmem>>, vector<16xf32>,
      tpu.vector_store %arg7[%swap3A_715, %swap3A_716], %broadcast_in_dim3A_6 {strides = array<i32>} : memref<16x2048xf32, #tpu.memory_space<vmem>>, vector<16xf32>,
      %swap3A_718 = arith.index_cast %scan3A_27 : i32 to index
      %swap3A_719 = arith.constant 1632 : index
      %swap3A_720 = tpu.vector_load %arg7[%swap3A_718, %swap3A_719] {strides = array<i32>} : memref<16x2048xf32, #tpu.memory_space<vmem>>, vector<16xf32>,
      tpu.vector_store %arg7[%swap3A_718, %swap3A_719], %broadcast_in_dim3A_6 {strides = array<i32>} : memref<16x2048xf32, #tpu.memory_space<vmem>>, vector<16xf32>,
      %swap3A_721 = arith.index_cast %scan3A_27 : i32 to index
      %swap3A_722 = arith.constant 1648 : index
      %swap3A_723 = tpu.vector_load %arg7[%swap3A_721, %swap3A_722] {strides = array<i32>} : memref<16x2048xf32, #tpu.memory_space<vmem>>, vector<16xf32>,
      tpu.vector_store %arg7[%swap3A_721, %swap3A_722], %broadcast_in_dim3A_6 {strides = array<i32>} : memref<16x2048xf32, #tpu.memory_space<vmem>>, vector<16xf32>,
      %swap3A_724 = arith.index_cast %scan3A_27 : i32 to index
      %swap3A_725 = arith.constant 1664 : index
      %swap3A_726 = tpu.vector_load %arg7[%swap3A_724, %swap3A_725] {strides = array<i32>} : memref<16x2048xf32, #tpu.memory_space<vmem>>, vector<16xf32>,
      tpu.vector_store %arg7[%swap3A_724, %swap3A_725], %broadcast_in_dim3A_6 {strides = array<i32>} : memref<16x2048xf32, #tpu.memory_space<vmem>>, vector<16xf32>,
      %swap3A_727 = arith.index_cast %scan3A_27 : i32 to index
      %swap3A_728 = arith.constant 1680 : index
      %swap3A_729 = tpu.vector_load %arg7[%swap3A_727, %swap3A_728] {strides = array<i32>} : memref<16x2048xf32, #tpu.memory_space<vmem>>, vector<16xf32>,
      tpu.vector_store %arg7[%swap3A_727, %swap3A_728], %broadcast_in_dim3A_6 {strides = array<i32>} : memref<16x2048xf32, #tpu.memory_space<vmem>>, vector<16xf32>,
      %swap3A_730 = arith.index_cast %scan3A_27 : i32 to index
      %swap3A_731 = arith.constant 1696 : index
      %swap3A_732 = tpu.vector_load %arg7[%swap3A_730, %swap3A_731] {strides = array<i32>} : memref<16x2048xf32, #tpu.memory_space<vmem>>, vector<16xf32>,
      tpu.vector_store %arg7[%swap3A_730, %swap3A_731], %broadcast_in_dim3A_6 {strides = array<i32>} : memref<16x2048xf32, #tpu.memory_space<vmem>>, vector<16xf32>,
      %swap3A_733 = arith.index_cast %scan3A_27 : i32 to index
      %swap3A_734 = arith.constant 1712 : index
      %swap3A_735 = tpu.vector_load %arg7[%swap3A_733, %swap3A_734] {strides = array<i32>} : memref<16x2048xf32, #tpu.memory_space<vmem>>, vector<16xf32>,
      tpu.vector_store %arg7[%swap3A_733, %swap3A_734], %broadcast_in_dim3A_6 {strides = array<i32>} : memref<16x2048xf32, #tpu.memory_space<vmem>>, vector<16xf32>,
      %swap3A_736 = arith.index_cast %scan3A_27 : i32 to index
      %swap3A_737 = arith.constant 1728 : index
      %swap3A_738 = tpu.vector_load %arg7[%swap3A_736, %swap3A_737] {strides = array<i32>} : memref<16x2048xf32, #tpu.memory_space<vmem>>, vector<16xf32>,
      tpu.vector_store %arg7[%swap3A_736, %swap3A_737], %broadcast_in_dim3A_6 {strides = array<i32>} : memref<16x2048xf32, #tpu.memory_space<vmem>>, vector<16xf32>,
      %swap3A_739 = arith.index_cast %scan3A_27 : i32 to index
      %swap3A_740 = arith.constant 1744 : index
      %swap3A_741 = tpu.vector_load %arg7[%swap3A_739, %swap3A_740] {strides = array<i32>} : memref<16x2048xf32, #tpu.memory_space<vmem>>, vector<16xf32>,
      tpu.vector_store %arg7[%swap3A_739, %swap3A_740], %broadcast_in_dim3A_6 {strides = array<i32>} : memref<16x2048xf32, #tpu.memory_space<vmem>>, vector<16xf32>,
      %swap3A_742 = arith.index_cast %scan3A_27 : i32 to index
      %swap3A_743 = arith.constant 1760 : index
      %swap3A_744 = tpu.vector_load %arg7[%swap3A_742, %swap3A_743] {strides = array<i32>} : memref<16x2048xf32, #tpu.memory_space<vmem>>, vector<16xf32>,
      tpu.vector_store %arg7[%swap3A_742, %swap3A_743], %broadcast_in_dim3A_6 {strides = array<i32>} : memref<16x2048xf32, #tpu.memory_space<vmem>>, vector<16xf32>,
      %swap3A_745 = arith.index_cast %scan3A_27 : i32 to index
      %swap3A_746 = arith.constant 1776 : index
      %swap3A_747 = tpu.vector_load %arg7[%swap3A_745, %swap3A_746] {strides = array<i32>} : memref<16x2048xf32, #tpu.memory_space<vmem>>, vector<16xf32>,
      tpu.vector_store %arg7[%swap3A_745, %swap3A_746], %broadcast_in_dim3A_6 {strides = array<i32>} : memref<16x2048xf32, #tpu.memory_space<vmem>>, vector<16xf32>,
      %swap3A_748 = arith.index_cast %scan3A_27 : i32 to index
      %swap3A_749 = arith.constant 1792 : index
      %swap3A_750 = tpu.vector_load %arg7[%swap3A_748, %swap3A_749] {strides = array<i32>} : memref<16x2048xf32, #tpu.memory_space<vmem>>, vector<16xf32>,
      tpu.vector_store %arg7[%swap3A_748, %swap3A_749], %broadcast_in_dim3A_6 {strides = array<i32>} : memref<16x2048xf32, #tpu.memory_space<vmem>>, vector<16xf32>,
      %swap3A_751 = arith.index_cast %scan3A_27 : i32 to index
      %swap3A_752 = arith.constant 1808 : index
      %swap3A_753 = tpu.vector_load %arg7[%swap3A_751, %swap3A_752] {strides = array<i32>} : memref<16x2048xf32, #tpu.memory_space<vmem>>, vector<16xf32>,
      tpu.vector_store %arg7[%swap3A_751, %swap3A_752], %broadcast_in_dim3A_6 {strides = array<i32>} : memref<16x2048xf32, #tpu.memory_space<vmem>>, vector<16xf32>,
      %swap3A_754 = arith.index_cast %scan3A_27 : i32 to index
      %swap3A_755 = arith.constant 1824 : index
      %swap3A_756 = tpu.vector_load %arg7[%swap3A_754, %swap3A_755] {strides = array<i32>} : memref<16x2048xf32, #tpu.memory_space<vmem>>, vector<16xf32>,
      tpu.vector_store %arg7[%swap3A_754, %swap3A_755], %broadcast_in_dim3A_6 {strides = array<i32>} : memref<16x2048xf32, #tpu.memory_space<vmem>>, vector<16xf32>,
      %swap3A_757 = arith.index_cast %scan3A_27 : i32 to index
      %swap3A_758 = arith.constant 1840 : index
      %swap3A_759 = tpu.vector_load %arg7[%swap3A_757, %swap3A_758] {strides = array<i32>} : memref<16x2048xf32, #tpu.memory_space<vmem>>, vector<16xf32>,
      tpu.vector_store %arg7[%swap3A_757, %swap3A_758], %broadcast_in_dim3A_6 {strides = array<i32>} : memref<16x2048xf32, #tpu.memory_space<vmem>>, vector<16xf32>,
      %swap3A_760 = arith.index_cast %scan3A_27 : i32 to index
      %swap3A_761 = arith.constant 1856 : index
      %swap3A_762 = tpu.vector_load %arg7[%swap3A_760, %swap3A_761] {strides = array<i32>} : memref<16x2048xf32, #tpu.memory_space<vmem>>, vector<16xf32>,
      tpu.vector_store %arg7[%swap3A_760, %swap3A_761], %broadcast_in_dim3A_6 {strides = array<i32>} : memref<16x2048xf32, #tpu.memory_space<vmem>>, vector<16xf32>,
      %swap3A_763 = arith.index_cast %scan3A_27 : i32 to index
      %swap3A_764 = arith.constant 1872 : index
      %swap3A_765 = tpu.vector_load %arg7[%swap3A_763, %swap3A_764] {strides = array<i32>} : memref<16x2048xf32, #tpu.memory_space<vmem>>, vector<16xf32>,
      tpu.vector_store %arg7[%swap3A_763, %swap3A_764], %broadcast_in_dim3A_6 {strides = array<i32>} : memref<16x2048xf32, #tpu.memory_space<vmem>>, vector<16xf32>,
      %swap3A_766 = arith.index_cast %scan3A_27 : i32 to index
      %swap3A_767 = arith.constant 1888 : index
      %swap3A_768 = tpu.vector_load %arg7[%swap3A_766, %swap3A_767] {strides = array<i32>} : memref<16x2048xf32, #tpu.memory_space<vmem>>, vector<16xf32>,
      tpu.vector_store %arg7[%swap3A_766, %swap3A_767], %broadcast_in_dim3A_6 {strides = array<i32>} : memref<16x2048xf32, #tpu.memory_space<vmem>>, vector<16xf32>,
      %swap3A_769 = arith.index_cast %scan3A_27 : i32 to index
      %swap3A_770 = arith.constant 1904 : index
      %swap3A_771 = tpu.vector_load %arg7[%swap3A_769, %swap3A_770] {strides = array<i32>} : memref<16x2048xf32, #tpu.memory_space<vmem>>, vector<16xf32>,
      tpu.vector_store %arg7[%swap3A_769, %swap3A_770], %broadcast_in_dim3A_6 {strides = array<i32>} : memref<16x2048xf32, #tpu.memory_space<vmem>>, vector<16xf32>,
      %swap3A_772 = arith.index_cast %scan3A_27 : i32 to index
      %swap3A_773 = arith.constant 1920 : index
      %swap3A_774 = tpu.vector_load %arg7[%swap3A_772, %swap3A_773] {strides = array<i32>} : memref<16x2048xf32, #tpu.memory_space<vmem>>, vector<16xf32>,
      tpu.vector_store %arg7[%swap3A_772, %swap3A_773], %broadcast_in_dim3A_6 {strides = array<i32>} : memref<16x2048xf32, #tpu.memory_space<vmem>>, vector<16xf32>,
      %swap3A_775 = arith.index_cast %scan3A_27 : i32 to index
      %swap3A_776 = arith.constant 1936 : index
      %swap3A_777 = tpu.vector_load %arg7[%swap3A_775, %swap3A_776] {strides = array<i32>} : memref<16x2048xf32, #tpu.memory_space<vmem>>, vector<16xf32>,
      tpu.vector_store %arg7[%swap3A_775, %swap3A_776], %broadcast_in_dim3A_6 {strides = array<i32>} : memref<16x2048xf32, #tpu.memory_space<vmem>>, vector<16xf32>,
      %swap3A_778 = arith.index_cast %scan3A_27 : i32 to index
      %swap3A_779 = arith.constant 1952 : index
      %swap3A_780 = tpu.vector_load %arg7[%swap3A_778, %swap3A_779] {strides = array<i32>} : memref<16x2048xf32, #tpu.memory_space<vmem>>, vector<16xf32>,
      tpu.vector_store %arg7[%swap3A_778, %swap3A_779], %broadcast_in_dim3A_6 {strides = array<i32>} : memref<16x2048xf32, #tpu.memory_space<vmem>>, vector<16xf32>,
      %swap3A_781 = arith.index_cast %scan3A_27 : i32 to index
      %swap3A_782 = arith.constant 1968 : index
      %swap3A_783 = tpu.vector_load %arg7[%swap3A_781, %swap3A_782] {strides = array<i32>} : memref<16x2048xf32, #tpu.memory_space<vmem>>, vector<16xf32>,
      tpu.vector_store %arg7[%swap3A_781, %swap3A_782], %broadcast_in_dim3A_6 {strides = array<i32>} : memref<16x2048xf32, #tpu.memory_space<vmem>>, vector<16xf32>,
      %swap3A_784 = arith.index_cast %scan3A_27 : i32 to index
      %swap3A_785 = arith.constant 1984 : index
      %swap3A_786 = tpu.vector_load %arg7[%swap3A_784, %swap3A_785] {strides = array<i32>} : memref<16x2048xf32, #tpu.memory_space<vmem>>, vector<16xf32>,
      tpu.vector_store %arg7[%swap3A_784, %swap3A_785], %broadcast_in_dim3A_6 {strides = array<i32>} : memref<16x2048xf32, #tpu.memory_space<vmem>>, vector<16xf32>,
      %swap3A_787 = arith.index_cast %scan3A_27 : i32 to index
      %swap3A_788 = arith.constant 2000 : index
      %swap3A_789 = tpu.vector_load %arg7[%swap3A_787, %swap3A_788] {strides = array<i32>} : memref<16x2048xf32, #tpu.memory_space<vmem>>, vector<16xf32>,
      tpu.vector_store %arg7[%swap3A_787, %swap3A_788], %broadcast_in_dim3A_6 {strides = array<i32>} : memref<16x2048xf32, #tpu.memory_space<vmem>>, vector<16xf32>,
      %swap3A_790 = arith.index_cast %scan3A_27 : i32 to index
      %swap3A_791 = arith.constant 2016 : index
      %swap3A_792 = tpu.vector_load %arg7[%swap3A_790, %swap3A_791] {strides = array<i32>} : memref<16x2048xf32, #tpu.memory_space<vmem>>, vector<16xf32>,
      tpu.vector_store %arg7[%swap3A_790, %swap3A_791], %broadcast_in_dim3A_6 {strides = array<i32>} : memref<16x2048xf32, #tpu.memory_space<vmem>>, vector<16xf32>,
      %swap3A_793 = arith.index_cast %scan3A_27 : i32 to index
      %swap3A_794 = arith.constant 2032 : index
      %swap3A_795 = tpu.vector_load %arg7[%swap3A_793, %swap3A_794] {strides = array<i32>} : memref<16x2048xf32, #tpu.memory_space<vmem>>, vector<16xf32>,
      tpu.vector_store %arg7[%swap3A_793, %swap3A_794], %broadcast_in_dim3A_6 {strides = array<i32>} : memref<16x2048xf32, #tpu.memory_space<vmem>>, vector<16xf32>,
      %scan3A_796 = arith.constant 0 : i32
      scf.yield %scan3A_796 : i32
    }
    %scan3A_12 = arith.constant 16 : i32
    %scan3A_13 = arith.constant 0 : i32
    %scan3A_14 = arith.constant 0 : i32
    %scan3A_15 = arith.constant 16 : i32
    %scan3A_16 = arith.addi %scan3A_14, %scan3A_15 : i32
    %scan3A_17 = arith.constant 1 : i32
    %scan3A_18 = scf.for %scan3A_27 = %scan3A_14 to %scan3A_16 step %scan3A_17 iter_args(%scan3A_28 = %scan3A_13) -> (i32)  : i32 {
      %mul3A_29 = arith.constant 2 : i32
      %mul3A_30 = arith.muli %scan3A_27, %mul3A_29 : i32
      %add3A_31 = arith.constant 0 : i32
      %add3A_32 = arith.addi %mul3A_30, %add3A_31 : i32
      %mul3A_33 = arith.constant 16 : i32
      %mul3A_34 = arith.muli %add3A_32, %mul3A_33 : i32
      %add3A_35 = arith.addi %mul3A_2, %mul3A_34 : i32
      %gt3A = arith.constant 0 : i32
      %gt3A_36 = arith.cmpi sgt, %scan3A_27, %gt3A : i32
      %convert_element_type3A = arith.extui %gt3A_36 : i1 to i32
      %cond3A = arith.constant 0 : i32
      %cond3A_37 = arith.cmpi ne, %convert_element_type3A, %cond3A : i32
      scf.if %cond3A_37 {
        %dma_wait3A_72 = arith.constant 0 : i32
        %dma_wait3A_73 = tpu.memref_slice %arg3[%mul3A_2, %dma_wait3A_72] : memref<16384x2048xf32, #tpu.memory_space<hbm>> -> memref<16x2048xf32, #tpu.memory_space<hbm>>
        %dma_wait3A_74 = arith.constant 0 : i32
        %dma_wait3A_75 = tpu.memref_slice %arg3[%mul3A_2, %dma_wait3A_74] : memref<16384x2048xf32, #tpu.memory_space<hbm>> -> memref<16x2048xf32, #tpu.memory_space<hbm>>
        tpu.wait_dma2 semaphore(%arg8 : memref<!tpu.dma_semaphore, #tpu.memory_space<semaphore_mem>>) src(%arg6 : memref<16x2048xf32, #tpu.memory_space<vmem>>) dst(%dma_wait3A_75 : memref<16x2048xf32, #tpu.memory_space<hbm>>)
      } else {
      }
      "tpu.region"() ({
        %run_scoped3A = tpu.sem_alloc : memref<!tpu.dma_semaphore, #tpu.memory_space<semaphore_mem>>
        %dma_start3A_72 = arith.constant 0 : i32
        %dma_start3A_73 = tpu.memref_slice %arg2[%add3A_35, %dma_start3A_72] : memref<16384x128xf32, #tpu.memory_space<hbm>> -> memref<16x128xf32, #tpu.memory_space<hbm>>
        %dma_start3A_74 = arith.constant 0 : i32
        %dma_start3A_75 = tpu.memref_slice %arg2[%add3A_35, %dma_start3A_74] : memref<16384x128xf32, #tpu.memory_space<hbm>> -> memref<16x128xf32, #tpu.memory_space<hbm>>
        tpu.enqueue_dma source(%dma_start3A_75 : memref<16x128xf32, #tpu.memory_space<hbm>>) target(%arg4 : memref<16x128xf32, #tpu.memory_space<vmem>>) target_semaphore(%run_scoped3A : memref<!tpu.dma_semaphore, #tpu.memory_space<semaphore_mem>>)
        %dma_wait3A_76 = arith.constant 0 : i32
        %dma_wait3A_77 = tpu.memref_slice %arg2[%add3A_35, %dma_wait3A_76] : memref<16384x128xf32, #tpu.memory_space<hbm>> -> memref<16x128xf32, #tpu.memory_space<hbm>>
        %dma_wait3A_78 = arith.constant 0 : i32
        %dma_wait3A_79 = tpu.memref_slice %arg2[%add3A_35, %dma_wait3A_78] : memref<16384x128xf32, #tpu.memory_space<hbm>> -> memref<16x128xf32, #tpu.memory_space<hbm>>
        tpu.wait_dma2 semaphore(%run_scoped3A : memref<!tpu.dma_semaphore, #tpu.memory_space<semaphore_mem>>) src(%dma_wait3A_79 : memref<16x128xf32, #tpu.memory_space<hbm>>) dst(%arg4 : memref<16x128xf32, #tpu.memory_space<vmem>>)
        tpu.yield
      }) : () -> ()
      %scan3A_38 = arith.constant 0 : i32
      %scan3A_39 = arith.constant 0 : i32
      %scan3A_40 = arith.constant 16 : i32
      %scan3A_41 = arith.addi %scan3A_39, %scan3A_40 : i32
      %scan3A_42 = arith.constant 1 : i32
      %scan3A_43 = scf.for %scan3A_72 = %scan3A_39 to %scan3A_41 step %scan3A_42 iter_args(%scan3A_73 = %scan3A_38) -> (i32)  : i32 {
        %broadcast_in_dim3A_74 = arith.constant 0 : i32
        %broadcast_in_dim3A_75 = vector.broadcast %broadcast_in_dim3A_74 : i32 to vector<16xi32>
        %add3A_76 = vector.broadcast %scan3A_72 : i32 to vector<16xi32>
        %add3A_77 = arith.addi %broadcast_in_dim3A_75, %add3A_76 : vector<16xi32>
        %get3A = arith.index_cast %scan3A_72 : i32 to index
        %get3A_78 = arith.constant 0 : index
        %get3A_79 = tpu.vector_load %arg4[%get3A, %get3A_78] {strides = array<i32>} : memref<16x128xf32, #tpu.memory_space<vmem>>, vector<16xf32>,
        %add3A_80 = arith.constant 0 : i32
        %add3A_81 = vector.broadcast %add3A_80 : i32 to vector<16xi32>
        %add3A_82 = arith.addi %add3A_81, %mul3A_5 : vector<16xi32>
        tpu.vector_store_idx %arg6[%add3A_77, %add3A_82], %get3A_79 : memref<16x2048xf32, #tpu.memory_space<vmem>>[vector<16xi32>, vector<16xi32>], vector<16xf32>,
        %get3A_83 = arith.index_cast %scan3A_72 : i32 to index
        %get3A_84 = arith.constant 16 : index
        %get3A_85 = tpu.vector_load %arg4[%get3A_83, %get3A_84] {strides = array<i32>} : memref<16x128xf32, #tpu.memory_space<vmem>>, vector<16xf32>,
        %add3A_86 = arith.constant 256 : i32
        %add3A_87 = vector.broadcast %add3A_86 : i32 to vector<16xi32>
        %add3A_88 = arith.addi %add3A_87, %mul3A_5 : vector<16xi32>
        tpu.vector_store_idx %arg6[%add3A_77, %add3A_88], %get3A_85 : memref<16x2048xf32, #tpu.memory_space<vmem>>[vector<16xi32>, vector<16xi32>], vector<16xf32>,
        %get3A_89 = arith.index_cast %scan3A_72 : i32 to index
        %get3A_90 = arith.constant 32 : index
        %get3A_91 = tpu.vector_load %arg4[%get3A_89, %get3A_90] {strides = array<i32>} : memref<16x128xf32, #tpu.memory_space<vmem>>, vector<16xf32>,
        %add3A_92 = arith.constant 512 : i32
        %add3A_93 = vector.broadcast %add3A_92 : i32 to vector<16xi32>
        %add3A_94 = arith.addi %add3A_93, %mul3A_5 : vector<16xi32>
        tpu.vector_store_idx %arg6[%add3A_77, %add3A_94], %get3A_91 : memref<16x2048xf32, #tpu.memory_space<vmem>>[vector<16xi32>, vector<16xi32>], vector<16xf32>,
        %get3A_95 = arith.index_cast %scan3A_72 : i32 to index
        %get3A_96 = arith.constant 48 : index
        %get3A_97 = tpu.vector_load %arg4[%get3A_95, %get3A_96] {strides = array<i32>} : memref<16x128xf32, #tpu.memory_space<vmem>>, vector<16xf32>,
        %add3A_98 = arith.constant 768 : i32
        %add3A_99 = vector.broadcast %add3A_98 : i32 to vector<16xi32>
        %add3A_100 = arith.addi %add3A_99, %mul3A_5 : vector<16xi32>
        tpu.vector_store_idx %arg6[%add3A_77, %add3A_100], %get3A_97 : memref<16x2048xf32, #tpu.memory_space<vmem>>[vector<16xi32>, vector<16xi32>], vector<16xf32>,
        %get3A_101 = arith.index_cast %scan3A_72 : i32 to index
        %get3A_102 = arith.constant 64 : index
        %get3A_103 = tpu.vector_load %arg4[%get3A_101, %get3A_102] {strides = array<i32>} : memref<16x128xf32, #tpu.memory_space<vmem>>, vector<16xf32>,
        %add3A_104 = arith.constant 1024 : i32
        %add3A_105 = vector.broadcast %add3A_104 : i32 to vector<16xi32>
        %add3A_106 = arith.addi %add3A_105, %mul3A_5 : vector<16xi32>
        tpu.vector_store_idx %arg6[%add3A_77, %add3A_106], %get3A_103 : memref<16x2048xf32, #tpu.memory_space<vmem>>[vector<16xi32>, vector<16xi32>], vector<16xf32>,
        %get3A_107 = arith.index_cast %scan3A_72 : i32 to index
        %get3A_108 = arith.constant 80 : index
        %get3A_109 = tpu.vector_load %arg4[%get3A_107, %get3A_108] {strides = array<i32>} : memref<16x128xf32, #tpu.memory_space<vmem>>, vector<16xf32>,
        %add3A_110 = arith.constant 1280 : i32
        %add3A_111 = vector.broadcast %add3A_110 : i32 to vector<16xi32>
        %add3A_112 = arith.addi %add3A_111, %mul3A_5 : vector<16xi32>
        tpu.vector_store_idx %arg6[%add3A_77, %add3A_112], %get3A_109 : memref<16x2048xf32, #tpu.memory_space<vmem>>[vector<16xi32>, vector<16xi32>], vector<16xf32>,
        %get3A_113 = arith.index_cast %scan3A_72 : i32 to index
        %get3A_114 = arith.constant 96 : index
        %get3A_115 = tpu.vector_load %arg4[%get3A_113, %get3A_114] {strides = array<i32>} : memref<16x128xf32, #tpu.memory_space<vmem>>, vector<16xf32>,
        %add3A_116 = arith.constant 1536 : i32
        %add3A_117 = vector.broadcast %add3A_116 : i32 to vector<16xi32>
        %add3A_118 = arith.addi %add3A_117, %mul3A_5 : vector<16xi32>
        tpu.vector_store_idx %arg6[%add3A_77, %add3A_118], %get3A_115 : memref<16x2048xf32, #tpu.memory_space<vmem>>[vector<16xi32>, vector<16xi32>], vector<16xf32>,
        %get3A_119 = arith.index_cast %scan3A_72 : i32 to index
        %get3A_120 = arith.constant 112 : index
        %get3A_121 = tpu.vector_load %arg4[%get3A_119, %get3A_120] {strides = array<i32>} : memref<16x128xf32, #tpu.memory_space<vmem>>, vector<16xf32>,
        %add3A_122 = arith.constant 1792 : i32
        %add3A_123 = vector.broadcast %add3A_122 : i32 to vector<16xi32>
        %add3A_124 = arith.addi %add3A_123, %mul3A_5 : vector<16xi32>
        tpu.vector_store_idx %arg6[%add3A_77, %add3A_124], %get3A_121 : memref<16x2048xf32, #tpu.memory_space<vmem>>[vector<16xi32>, vector<16xi32>], vector<16xf32>,
        %scan3A_125 = arith.constant 0 : i32
        scf.yield %scan3A_125 : i32
      }
      %scan3A_44 = arith.constant 16 : i32
      %dma_start3A = arith.constant 0 : i32
      %dma_start3A_45 = tpu.memref_slice %arg3[%add3A_35, %dma_start3A] : memref<16384x2048xf32, #tpu.memory_space<hbm>> -> memref<16x2048xf32, #tpu.memory_space<hbm>>
      %dma_start3A_46 = arith.constant 0 : i32
      %dma_start3A_47 = tpu.memref_slice %arg3[%add3A_35, %dma_start3A_46] : memref<16384x2048xf32, #tpu.memory_space<hbm>> -> memref<16x2048xf32, #tpu.memory_space<hbm>>
      tpu.enqueue_dma source(%arg6 : memref<16x2048xf32, #tpu.memory_space<vmem>>) target(%dma_start3A_47 : memref<16x2048xf32, #tpu.memory_space<hbm>>) target_semaphore(%arg8 : memref<!tpu.dma_semaphore, #tpu.memory_space<semaphore_mem>>)
      %mul3A_48 = arith.constant 2 : i32
      %mul3A_49 = arith.muli %scan3A_27, %mul3A_48 : i32
      %add3A_50 = arith.constant 1 : i32
      %add3A_51 = arith.addi %mul3A_49, %add3A_50 : i32
      %mul3A_52 = arith.constant 16 : i32
      %mul3A_53 = arith.muli %add3A_51, %mul3A_52 : i32
      %add3A_54 = arith.addi %mul3A_2, %mul3A_53 : i32
      %gt3A_55 = arith.constant 0 : i32
      %gt3A_56 = arith.cmpi sgt, %scan3A_27, %gt3A_55 : i32
      %convert_element_type3A_57 = arith.extui %gt3A_56 : i1 to i32
      %cond3A_58 = arith.constant 0 : i32
      %cond3A_59 = arith.cmpi ne, %convert_element_type3A_57, %cond3A_58 : i32
      scf.if %cond3A_59 {
        %dma_wait3A_72 = arith.constant 0 : i32
        %dma_wait3A_73 = tpu.memref_slice %arg3[%mul3A_2, %dma_wait3A_72] : memref<16384x2048xf32, #tpu.memory_space<hbm>> -> memref<16x2048xf32, #tpu.memory_space<hbm>>
        %dma_wait3A_74 = arith.constant 0 : i32
        %dma_wait3A_75 = tpu.memref_slice %arg3[%mul3A_2, %dma_wait3A_74] : memref<16384x2048xf32, #tpu.memory_space<hbm>> -> memref<16x2048xf32, #tpu.memory_space<hbm>>
        tpu.wait_dma2 semaphore(%arg9 : memref<!tpu.dma_semaphore, #tpu.memory_space<semaphore_mem>>) src(%arg7 : memref<16x2048xf32, #tpu.memory_space<vmem>>) dst(%dma_wait3A_75 : memref<16x2048xf32, #tpu.memory_space<hbm>>)
      } else {
      }
      "tpu.region"() ({
        %run_scoped3A = tpu.sem_alloc : memref<!tpu.dma_semaphore, #tpu.memory_space<semaphore_mem>>
        %dma_start3A_72 = arith.constant 0 : i32
        %dma_start3A_73 = tpu.memref_slice %arg2[%add3A_54, %dma_start3A_72] : memref<16384x128xf32, #tpu.memory_space<hbm>> -> memref<16x128xf32, #tpu.memory_space<hbm>>
        %dma_start3A_74 = arith.constant 0 : i32
        %dma_start3A_75 = tpu.memref_slice %arg2[%add3A_54, %dma_start3A_74] : memref<16384x128xf32, #tpu.memory_space<hbm>> -> memref<16x128xf32, #tpu.memory_space<hbm>>
        tpu.enqueue_dma source(%dma_start3A_75 : memref<16x128xf32, #tpu.memory_space<hbm>>) target(%arg5 : memref<16x128xf32, #tpu.memory_space<vmem>>) target_semaphore(%run_scoped3A : memref<!tpu.dma_semaphore, #tpu.memory_space<semaphore_mem>>)
        %dma_wait3A_76 = arith.constant 0 : i32
        %dma_wait3A_77 = tpu.memref_slice %arg2[%add3A_54, %dma_wait3A_76] : memref<16384x128xf32, #tpu.memory_space<hbm>> -> memref<16x128xf32, #tpu.memory_space<hbm>>
        %dma_wait3A_78 = arith.constant 0 : i32
        %dma_wait3A_79 = tpu.memref_slice %arg2[%add3A_54, %dma_wait3A_78] : memref<16384x128xf32, #tpu.memory_space<hbm>> -> memref<16x128xf32, #tpu.memory_space<hbm>>
        tpu.wait_dma2 semaphore(%run_scoped3A : memref<!tpu.dma_semaphore, #tpu.memory_space<semaphore_mem>>) src(%dma_wait3A_79 : memref<16x128xf32, #tpu.memory_space<hbm>>) dst(%arg5 : memref<16x128xf32, #tpu.memory_space<vmem>>)
        tpu.yield
      }) : () -> ()
      %scan3A_60 = arith.constant 0 : i32
      %scan3A_61 = arith.constant 0 : i32
      %scan3A_62 = arith.constant 16 : i32
      %scan3A_63 = arith.addi %scan3A_61, %scan3A_62 : i32
      %scan3A_64 = arith.constant 1 : i32
      %scan3A_65 = scf.for %scan3A_72 = %scan3A_61 to %scan3A_63 step %scan3A_64 iter_args(%scan3A_73 = %scan3A_60) -> (i32)  : i32 {
        %broadcast_in_dim3A_74 = arith.constant 0 : i32
        %broadcast_in_dim3A_75 = vector.broadcast %broadcast_in_dim3A_74 : i32 to vector<16xi32>
        %add3A_76 = vector.broadcast %scan3A_72 : i32 to vector<16xi32>
        %add3A_77 = arith.addi %broadcast_in_dim3A_75, %add3A_76 : vector<16xi32>
        %get3A = arith.index_cast %scan3A_72 : i32 to index
        %get3A_78 = arith.constant 0 : index
        %get3A_79 = tpu.vector_load %arg5[%get3A, %get3A_78] {strides = array<i32>} : memref<16x128xf32, #tpu.memory_space<vmem>>, vector<16xf32>,
        %add3A_80 = arith.constant 0 : i32
        %add3A_81 = vector.broadcast %add3A_80 : i32 to vector<16xi32>
        %add3A_82 = arith.addi %add3A_81, %mul3A_5 : vector<16xi32>
        tpu.vector_store_idx %arg7[%add3A_77, %add3A_82], %get3A_79 : memref<16x2048xf32, #tpu.memory_space<vmem>>[vector<16xi32>, vector<16xi32>], vector<16xf32>,
        %get3A_83 = arith.index_cast %scan3A_72 : i32 to index
        %get3A_84 = arith.constant 16 : index
        %get3A_85 = tpu.vector_load %arg5[%get3A_83, %get3A_84] {strides = array<i32>} : memref<16x128xf32, #tpu.memory_space<vmem>>, vector<16xf32>,
        %add3A_86 = arith.constant 256 : i32
        %add3A_87 = vector.broadcast %add3A_86 : i32 to vector<16xi32>
        %add3A_88 = arith.addi %add3A_87, %mul3A_5 : vector<16xi32>
        tpu.vector_store_idx %arg7[%add3A_77, %add3A_88], %get3A_85 : memref<16x2048xf32, #tpu.memory_space<vmem>>[vector<16xi32>, vector<16xi32>], vector<16xf32>,
        %get3A_89 = arith.index_cast %scan3A_72 : i32 to index
        %get3A_90 = arith.constant 32 : index
        %get3A_91 = tpu.vector_load %arg5[%get3A_89, %get3A_90] {strides = array<i32>} : memref<16x128xf32, #tpu.memory_space<vmem>>, vector<16xf32>,
        %add3A_92 = arith.constant 512 : i32
        %add3A_93 = vector.broadcast %add3A_92 : i32 to vector<16xi32>
        %add3A_94 = arith.addi %add3A_93, %mul3A_5 : vector<16xi32>
        tpu.vector_store_idx %arg7[%add3A_77, %add3A_94], %get3A_91 : memref<16x2048xf32, #tpu.memory_space<vmem>>[vector<16xi32>, vector<16xi32>], vector<16xf32>,
        %get3A_95 = arith.index_cast %scan3A_72 : i32 to index
        %get3A_96 = arith.constant 48 : index
        %get3A_97 = tpu.vector_load %arg5[%get3A_95, %get3A_96] {strides = array<i32>} : memref<16x128xf32, #tpu.memory_space<vmem>>, vector<16xf32>,
        %add3A_98 = arith.constant 768 : i32
        %add3A_99 = vector.broadcast %add3A_98 : i32 to vector<16xi32>
        %add3A_100 = arith.addi %add3A_99, %mul3A_5 : vector<16xi32>
        tpu.vector_store_idx %arg7[%add3A_77, %add3A_100], %get3A_97 : memref<16x2048xf32, #tpu.memory_space<vmem>>[vector<16xi32>, vector<16xi32>], vector<16xf32>,
        %get3A_101 = arith.index_cast %scan3A_72 : i32 to index
        %get3A_102 = arith.constant 64 : index
        %get3A_103 = tpu.vector_load %arg5[%get3A_101, %get3A_102] {strides = array<i32>} : memref<16x128xf32, #tpu.memory_space<vmem>>, vector<16xf32>,
        %add3A_104 = arith.constant 1024 : i32
        %add3A_105 = vector.broadcast %add3A_104 : i32 to vector<16xi32>
        %add3A_106 = arith.addi %add3A_105, %mul3A_5 : vector<16xi32>
        tpu.vector_store_idx %arg7[%add3A_77, %add3A_106], %get3A_103 : memref<16x2048xf32, #tpu.memory_space<vmem>>[vector<16xi32>, vector<16xi32>], vector<16xf32>,
        %get3A_107 = arith.index_cast %scan3A_72 : i32 to index
        %get3A_108 = arith.constant 80 : index
        %get3A_109 = tpu.vector_load %arg5[%get3A_107, %get3A_108] {strides = array<i32>} : memref<16x128xf32, #tpu.memory_space<vmem>>, vector<16xf32>,
        %add3A_110 = arith.constant 1280 : i32
        %add3A_111 = vector.broadcast %add3A_110 : i32 to vector<16xi32>
        %add3A_112 = arith.addi %add3A_111, %mul3A_5 : vector<16xi32>
        tpu.vector_store_idx %arg7[%add3A_77, %add3A_112], %get3A_109 : memref<16x2048xf32, #tpu.memory_space<vmem>>[vector<16xi32>, vector<16xi32>], vector<16xf32>,
        %get3A_113 = arith.index_cast %scan3A_72 : i32 to index
        %get3A_114 = arith.constant 96 : index
        %get3A_115 = tpu.vector_load %arg5[%get3A_113, %get3A_114] {strides = array<i32>} : memref<16x128xf32, #tpu.memory_space<vmem>>, vector<16xf32>,
        %add3A_116 = arith.constant 1536 : i32
        %add3A_117 = vector.broadcast %add3A_116 : i32 to vector<16xi32>
        %add3A_118 = arith.addi %add3A_117, %mul3A_5 : vector<16xi32>
        tpu.vector_store_idx %arg7[%add3A_77, %add3A_118], %get3A_115 : memref<16x2048xf32, #tpu.memory_space<vmem>>[vector<16xi32>, vector<16xi32>], vector<16xf32>,
        %get3A_119 = arith.index_cast %scan3A_72 : i32 to index
        %get3A_120 = arith.constant 112 : index
        %get3A_121 = tpu.vector_load %arg5[%get3A_119, %get3A_120] {strides = array<i32>} : memref<16x128xf32, #tpu.memory_space<vmem>>, vector<16xf32>,
        %add3A_122 = arith.constant 1792 : i32
        %add3A_123 = vector.broadcast %add3A_122 : i32 to vector<16xi32>
        %add3A_124 = arith.addi %add3A_123, %mul3A_5 : vector<16xi32>
        tpu.vector_store_idx %arg7[%add3A_77, %add3A_124], %get3A_121 : memref<16x2048xf32, #tpu.memory_space<vmem>>[vector<16xi32>, vector<16xi32>], vector<16xf32>,
        %scan3A_125 = arith.constant 0 : i32
        scf.yield %scan3A_125 : i32
      }
      %scan3A_66 = arith.constant 16 : i32
      %dma_start3A_67 = arith.constant 0 : i32
      %dma_start3A_68 = tpu.memref_slice %arg3[%add3A_54, %dma_start3A_67] : memref<16384x2048xf32, #tpu.memory_space<hbm>> -> memref<16x2048xf32, #tpu.memory_space<hbm>>
      %dma_start3A_69 = arith.constant 0 : i32
      %dma_start3A_70 = tpu.memref_slice %arg3[%add3A_54, %dma_start3A_69] : memref<16384x2048xf32, #tpu.memory_space<hbm>> -> memref<16x2048xf32, #tpu.memory_space<hbm>>
      tpu.enqueue_dma source(%arg7 : memref<16x2048xf32, #tpu.memory_space<vmem>>) target(%dma_start3A_70 : memref<16x2048xf32, #tpu.memory_space<hbm>>) target_semaphore(%arg9 : memref<!tpu.dma_semaphore, #tpu.memory_space<semaphore_mem>>)
      %scan3A_71 = arith.constant 0 : i32
      scf.yield %scan3A_71 : i32
    }
    %scan3A_19 = arith.constant 16 : i32
    %dma_wait3A = arith.constant 0 : i32
    %dma_wait3A_20 = tpu.memref_slice %arg3[%mul3A_2, %dma_wait3A] : memref<16384x2048xf32, #tpu.memory_space<hbm>> -> memref<16x2048xf32, #tpu.memory_space<hbm>>
    %dma_wait3A_21 = arith.constant 0 : i32
    %dma_wait3A_22 = tpu.memref_slice %arg3[%mul3A_2, %dma_wait3A_21] : memref<16384x2048xf32, #tpu.memory_space<hbm>> -> memref<16x2048xf32, #tpu.memory_space<hbm>>
    tpu.wait_dma2 semaphore(%arg8 : memref<!tpu.dma_semaphore, #tpu.memory_space<semaphore_mem>>) src(%arg6 : memref<16x2048xf32, #tpu.memory_space<vmem>>) dst(%dma_wait3A_22 : memref<16x2048xf32, #tpu.memory_space<hbm>>)
    %dma_wait3A_23 = arith.constant 0 : i32
    %dma_wait3A_24 = tpu.memref_slice %arg3[%mul3A_2, %dma_wait3A_23] : memref<16384x2048xf32, #tpu.memory_space<hbm>> -> memref<16x2048xf32, #tpu.memory_space<hbm>>
    %dma_wait3A_25 = arith.constant 0 : i32
    %dma_wait3A_26 = tpu.memref_slice %arg3[%mul3A_2, %dma_wait3A_25] : memref<16384x2048xf32, #tpu.memory_space<hbm>> -> memref<16x2048xf32, #tpu.memory_space<hbm>>
    tpu.wait_dma2 semaphore(%arg9 : memref<!tpu.dma_semaphore, #tpu.memory_space<semaphore_mem>>) src(%arg7 : memref<16x2048xf32, #tpu.memory_space<vmem>>) dst(%dma_wait3A_26 : memref<16x2048xf32, #tpu.memory_space<hbm>>)
    return
  }
}

</mosaic_0001>

<sc_bundles>
// kernel: _sc_upsample.3.cloned.1.call-start
scs
__scs_entry_jumppad:
0x0: {  	(pc) =	sbr.rel $0x88, $3  }
0x1: {  	(tag) =	ssettag $0x0;
	lr =	simm.s32 $0x1  }
0x2: {  	[smem:$0x3FA0] =	sst lr;
	_ =	strace $0xD0000000  }
0x3: {  	_ = 	snop  }
0x4: {  	_ = 	snop  }
0x5: {  	_ = 	snop  }
0x6: {  	_ = 	snop  }
0x7: {  	_ = 	snop  }
__scs_overlays_trampoline_lowered:
0x8: {  	[smem:$0x3FAF] =	sst s0  }
0x9: {  	[smem:$0x3FB0] =	sst s1  }
0xa: {  	[smem:$0x3FB1] =	sst s2  }
0xb: {  	[smem:$0x3FB2] =	sst s3  }
0xc: {  	[smem:$0x3FB3] =	sst s4  }
0xd: {  	[smem:$0x3FB4] =	sst s5  }
0xe: {  	[smem:$0x3FB5] =	sst s6  }
0xf: {  	[smem:$0x3FB6] =	sst s7  }
0x10: {  	[smem:$0x3FB7] =	sst s8  }
0x11: {  	[smem:$0x3FB8] =	sst s9;
	s0 =	simm.s32 @!p0 $0x0  }
0x12: {  	s1 =	sld [smem:$0x3F9E];
	s0 =	simm.s32 @p0 $0x1  }
0x13: {  	[smem:$0x3FB9] =	sst s0;
	s0 =	simm.s32 @!p1 $0x0  }
0x14: {  	s2 =	sld [smem:$0x3F9D];
	s0 =	simm.s32 @p1 $0x1  }
0x15: {  	[smem:$0x3FBA] =	sst s0;
	s0 =	simm.s32 @!p2 $0x0  }
0x16: {  	s3 =	sld [smem:$0x3FDB];
	s0 =	simm.s32 @p2 $0x1  }
0x17: {  	s4 =	simm.s32 $0x1BF5;
	[smem:$0x3FBC] =	sst s0  }
0x18: {  	s0 =	sld [smem:$0x3F9F];
	_ =	swait.ge [sflag:s4], $0x0  }
0x19: {  	s7 =	sld [smem:$0x3FA0]  }
0x1a: {  	s8 =	sadd.s32 $0xFFFFE003, lr  }
0x1b: {  	s9 =	sadd.s32 $0xFFFFFEF7, lr;
	s5 =	simm.s32 $0xFFFFFFFF;
	p2 =	slt.u32 s8, $0xFFFFF086  }
0x1c: {  	p1 =	slt.u32 s9, $0xF7A;
	s5 =	simm.s32 @!p2 $0x0  }
0x1d: {  	s5 =	simm.s32 @p1 $0x1;
	p0 =	seq.s32 s7, s2  }
0x1e: {  	s7 =	smul.u32 @!p0 $0xF7A, s2;
	p2 =	seq.s32 @!p0 s5, $0x0  }
0x1f: {  	s9 =	smul.u32 $0xF7A, s1;
	s8 =	simm.s32 @!p0 $0x1BF5;
	p2 =	por !p2, p0  }
0x20: {  	[sflag:s8] =	ssyncset.s32 @!p0 $0xFFFFF086;
	s6 =	sadd.s32 @!p0 s3, s7;
	s7 =	simm.s32 @!p0 $0x108  }
0x21: {  	s3 =	sadd.s32 s3, s9;
	s6 =	sadd.s32 @!p0 $0x88, s6;
	s7 =	simm.s32 @p2 $0x1082  }
0x22: {  	[simem:s7], [sflag:s8] =	dma.local @!p0 [hbm:s6], $0xF7A  }
0x23: {  	s9 =	sor.u32 $0xD0000000, s2;
	s6 =	simm.s32 $0x108;
	_ =	swait.ge @!p0 [sflag:s8], $0x0  }
0x24: {  	s3 =	sadd.s32 $0x88, s3;
	s6 =	simm.s32 @!p1 $0x1082;
	[sflag:s4] =	ssyncset.s32 $0xFFFFF086  }
0x25: {  	[simem:s6], [sflag:s4] =	dma.local [hbm:s3], $0xF7A  }
0x26: {  	[smem:$0x3FA0] =	sst s1;
	(tag) =	ssettag s2;
	_ =	strace s9  }
0x27: {  	s1 =	sld [smem:$0x3FB0]  }
0x28: {  	s2 =	sld [smem:$0x3FB1]  }
0x29: {  	s4 =	sld [smem:$0x3FB3]  }
0x2a: {  	p0 =	seq.s32 s5, $0x0;
	s5 =	sld [smem:$0x3FB4]  }
0x2b: {  	s6 =	sld [smem:$0x3FB5]  }
0x2c: {  	s7 =	sld [smem:$0x3FB6]  }
0x2d: {  	s3 =	simm.s32 $0x108;
	s8 =	sld [smem:$0x3FB7]  }
0x2e: {  	s3 =	simm.s32 @!p0 $0x1082;
	s9 =	sld [smem:$0x3FB8]  }
0x2f: {  	lr =	sadd.s32 s0, s3;
	s0 =	sld [smem:$0x3FAF]  }
0x30: {  	s3 =	sld [smem:$0x3FB2]  }
0x31: {  	[smem:$0x3FBB] =	sst s10  }
0x32: {  	s10 =	sld [smem:$0x3FB9];
	_ =	sdelay $0x3  }
0x33: {  	p0 =	seq.s32 s10, $0x1;
	s10 =	sld [smem:$0x3FBB];
	_ =	sdelay $0x3  }
0x34: {  	[smem:$0x3FBB] =	sst s10  }
0x35: {  	s10 =	sld [smem:$0x3FBA];
	_ =	sdelay $0x3  }
0x36: {  	p1 =	seq.s32 s10, $0x1;
	s10 =	sld [smem:$0x3FBB];
	_ =	sdelay $0x3  }
0x37: {  	[smem:$0x3FBB] =	sst s10  }
0x38: {  	s10 =	sld [smem:$0x3FBC]  }
0x39: {  	_ = 	snop;
	(pc) =	sbr.ind lr, $3  }
0x3a: {  	_ = 	snop  }
0x3b: {  	_ = 	snop  }
0x3c: {  	p2 =	seq.s32 s10, $0x1;
	s10 =	sld [smem:$0x3FBB]  }
0x3d: {  	_ =	shalt  }
0x3e: {  	_ =	shalt  }
0x3f: {  	_ =	shalt  }
0x40: {  	_ =	shalt  }
0x41: {  	_ =	shalt  }
0x42: {  	_ =	shalt  }
0x43: {  	_ =	shalt  }
0x44: {  	_ =	shalt  }
0x45: {  	_ =	shalt  }
0x46: {  	_ =	shalt  }
0x47: {  	_ =	shalt  }
0x48: {  	_ =	shalt  }
0x49: {  	_ =	shalt  }
0x4a: {  	_ =	shalt  }
0x4b: {  	_ =	shalt  }
0x4c: {  	_ =	shalt  }
0x4d: {  	_ =	shalt  }
0x4e: {  	_ =	shalt  }
0x4f: {  	_ =	shalt  }
0x50: {  	_ =	shalt  }
0x51: {  	_ =	shalt  }
0x52: {  	_ =	shalt  }
0x53: {  	_ =	shalt  }
0x54: {  	_ =	shalt  }
0x55: {  	_ =	shalt  }
0x56: {  	_ =	shalt  }
0x57: {  	_ =	shalt  }
0x58: {  	_ =	shalt  }
0x59: {  	_ =	shalt  }
0x5a: {  	_ =	shalt  }
0x5b: {  	_ =	shalt  }
0x5c: {  	_ =	shalt  }
0x5d: {  	_ =	shalt  }
0x5e: {  	_ =	shalt  }
0x5f: {  	_ =	shalt  }
0x60: {  	_ =	shalt  }
0x61: {  	_ =	shalt  }
0x62: {  	_ =	shalt  }
0x63: {  	_ =	shalt  }
0x64: {  	_ =	shalt  }
0x65: {  	_ =	shalt  }
0x66: {  	_ =	shalt  }
0x67: {  	_ =	shalt  }
0x68: {  	_ =	shalt  }
0x69: {  	_ =	shalt  }
0x6a: {  	_ =	shalt  }
0x6b: {  	_ =	shalt  }
0x6c: {  	_ =	shalt  }
0x6d: {  	_ =	shalt  }
0x6e: {  	_ =	shalt  }
0x6f: {  	_ =	shalt  }
0x70: {  	_ =	shalt  }
0x71: {  	_ =	shalt  }
0x72: {  	_ =	shalt  }
0x73: {  	_ =	shalt  }
0x74: {  	_ =	shalt  }
0x75: {  	_ =	shalt  }
0x76: {  	_ =	shalt  }
0x77: {  	_ =	shalt  }
0x78: {  	_ =	shalt  }
0x79: {  	_ =	shalt  }
0x7a: {  	_ =	shalt  }
0x7b: {  	_ =	shalt  }
0x7c: {  	_ =	shalt  }
0x7d: {  	_ =	shalt  }
0x7e: {  	_ =	shalt  }
0x7f: {  	_ =	shalt  }
0x80: {  	_ =	shalt  }
0x81: {  	_ =	shalt  }
0x82: {  	_ =	shalt  }
0x83: {  	_ =	shalt  }
0x84: {  	_ =	shalt  }
0x85: {  	_ =	shalt  }
0x86: {  	_ =	shalt  }
0x87: {  	_ =	shalt  }
.Lfunc_end0:
.L_simem_size_0:
called_computation_lowered:
.L_overlay_start_0:
0x88: {  	s2 =	sld [smem:$0x3FD9]  }
0x89: {  	s3 =	sld [smem:$0x3FFE];
	_ =	sdelay $0x1  }
0x8a: {  	s1 =	srdreg.scid  }
0x8b: {  	s0 =	sand.u32 $0x1, s1  }
0x8c: {  	s18 =	sshll.u32 s0, $0xA;
	s2 =	sadd.s32 s3, s2  }
0x8d: {  	s2 =	sadd.s32 s2, s18  }
0x8e: {  	[smem:$0x3FC7] =	sst s2  }
0x8f: {  	_ = 	snop  }
0x90: {  	s2 =	sld [smem:$0x3FC9]  }
0x91: {  	s19 =	sld [smem:$0x3FD0];
	(tm) =	ssettm $0x1  }
0x92: {  	s4 =	sld [smem:$0x3FFB];
	_ =	sdelay $0x3  }
0x93: {  	_ =	strace s4  }
0x94: {  	s4 =	sld [smem:$0x3FFC];
	_ =	sdelay $0x3  }
0x95: {  	_ =	strace s4  }
0x96: {  	s4 =	sld [smem:$0x3FFD];
	_ =	sdelay $0x3  }
0x97: {  	_ =	strace s4  }
0x98: {  	_ =	strace $0x8FFFFFFF  }
0x99: {  	s20 =	sld [smem:$0x3FDB];
	_ =	sdelay $0x1  }
0x9a: {  	s5 =	simm.s32 $_scs_section_size  }
0x9b: {  	s6 =	simm.s32 $_size__tile_overlayer_lowered;
	s7 =	simm.s32 $_tile_overlayer_lowered  }
0x9c: {  	s23 =	simm.s32 $0x1BFF;
	s22 =	sshll.u32 s7, $0x1;
	s4 =	sadd.s32 s5, s20  }
0x9d: {  	s8 =	simm.s32 $0x0;
	s21 =	sshll.u32 s6, $0x1;
	s6 =	sadd.s32 s22, s4  }
0x9e: {  	[timem:s8], [sflag:s23] =	dma.local [hbm:s6], s21  }
0x9f: {  	_ =	swait.ge [sflag:s23], s21  }
0xa0: {  	s5 =	ssub.s32 $0x0, s21;
	[sflag:s23] =	ssyncset.done $0x0  }
0xa1: {  	[sflag:s23] =	ssyncadd.s32 s5;
	_ =	sdelay $0x1  }
0xa2: {  	s24 =	simm.s32 $0x1B8B  }
0xa3: {  	_ =	swait.ge [sflag:s24], $0x1  }
0xa4: {  	[sflag:s24] =	ssyncset.done $0x0  }
0xa5: {  	s25 =	simm.s32 $0x1B8E;
	[sflag:s24] =	ssyncadd.s32 $0xFFFFFFFF  }
0xa6: {  	s26 =	simm.s32 $execute0_lowered;
	[smem:$0x3FD2] =	sst s25  }
0xa7: {  	s5 =	sshll.u32 s26, $0x1;
	_ =	strace $0x80000046;
	[dreg:$0x1] =	wrdreg $0xFFFFFFFF  }
0xa8: {  	s28 =	simm.s32 $_size_execute0_lowered;
	s4 =	sadd.s32 s4, s5;
	[dreg:$0x0] =	wrdreg $0x0  }
0xa9: {  	s5 =	sshll.u32 s28, $0x1;
	[dreg:$0x2] =	wrdreg s4  }
0xaa: {  	[dreg:$0x3] =	wrdreg s5  }
0xab: {  	[dreg:$0x4] =	wrdreg $0xC0  }
0xac: {  	_ =	task [dreg:s8], $0x5FFFF  }
0xad: {  	[dreg:$0x1] =	wrdreg $0xFFFFFFFF  }
0xae: {  	[dreg:$0x0] =	wrdreg $0x60  }
0xaf: {  	[dreg:$0x2] =	wrdreg s2  }
0xb0: {  	[dreg:$0x3] =	wrdreg s19  }
0xb1: {  	[dreg:$0x4] =	wrdreg $0x9  }
0xb2: {  	_ =	task.clear_ibuf [dreg:s8], $0x5FFFF;
	_ =	strace $0x90000046  }
0xb3: {  	s29 =	simm.s32 $0x9;
	_ =	strace $0x80000048  }
0xb4: {  	_ =	swait.ge [sflag:s29], $0x1  }
0xb5: {  	[sflag:s29] =	ssyncadd.s32 $0xFFFFFFFF  }
0xb6: {  	_ =	strace $0x90000048  }
0xb7: {  	_ =	sfence  }
0xb8: {  	s30 =	sld [smem:$0x0];
	_ =	sdelay $0x2  }
0xb9: {  	s31 =	sshll.u32 s1, $0xD;
	s1 =	sshrl.u32 s1, $0x2  }
0xba: {  	s3 =	sand.u32 $0x4000, s31;
	s1 =	sadd.s32 s1, s30  }
0xbb: {  	s0 =	sor.u32 s3, s0;
	s1 =	sshll.u32 s1, $0x11  }
0xbc: {  	s0 =	sor.u32 s1, s0  }
0xbd: {  	s0 =	sadd.s32 $0x8F2B, s0  }
0xbe: {  	[sflag:s0] =	ssyncadd.remote.s32 $0x1  }
0xbf: {  	_ =	sfence.sel $0xFFFF  }
0xc0: {  	[dreg:$0x0] =	wrdreg $0xFFFFFFFF;
	(pc) =	sbr.abs _section_cstart, $3  }
0xc1: {  	[dreg:$0x1] =	wrdreg $0xFFFFFFFF  }
0xc2: {  	_ =	task.clear_ibuf [dreg:s8], $0x2FFFF;
	_ =	strace $0x9FFFFFFF  }
0xc3: {  	(tm) =	ssettm $0x7FFFFFFF  }
tec
execute0_lowered:
.L_overlay_start_1:
0x0: {  	(tag) =	ssettag $0x1  }
0x1: {  	v0 =	vimm.s32 $0xC70;
	vm9 =	vcmask $0x300  }
0x2: {  	v1 =	vimm.s32 $0x30201000;
	vm10 =	vcmask $0x704;
	vm11 =	vcmask $0xB08  }
0x3: {  	vm0 =	vcmask $0xF00;
	vm12 =	vcmask $0xF0C;
	vm13 =	vcmask $0x1310  }
0x4: {  	v2 =	vimm.s32 $0x70605040;
	vm14 =	vcmask $0x1714;
	vm8 =	vcmask $0x1B18  }
0x5: {  	vm15 =	vcmask $0x1F10;
	vm7 =	vcmask $0x1F1C;
	vm6 =	vcmask $0x2320  }
0x6: {  	vm5 =	vcmask $0x2724;
	vm4 =	vcmask $0x2B28;
	vm3 =	vcmask $0x2F2C  }
0x7: {  	vm2 =	vcmask $0x3330;
	vm1 =	vcmask $0x3734;
	v3 =	vimm.s32 $0x1470  }
0x8: {  	v4 =	vimm.s32 $0x1C70;
	v5 =	vimm.s32 $0x2470;
	v6 =	vimm.s32 $0x2C70  }
0x9: {  	v7 =	vimm.s32 $0x3470;
	v8 =	vimm.s32 $0x3C70;
	v0 =	vsel vm9, $0x800, v0  }
0xa: {  	v1 =	vunpack.c.0.s8.s32 v1;
	v2 =	vunpack.c.0.s8.s32 v2;
	v3 =	vsel vm9, $0x1000, v3  }
0xb: {  	v4 =	vsel vm9, $0x1800, v4;
	v5 =	vsel vm9, $0x2000, v5;
	v6 =	vsel vm9, $0x2800, v6  }
0xc: {  	v7 =	vsel vm9, $0x3000, v7;
	v8 =	vsel vm9, $0x3800, v8;
	v0 =	vsel vm10, $0x810, v0  }
0xd: {  	v3 =	vsel vm10, $0x1010, v3;
	v4 =	vsel vm10, $0x1810, v4;
	v5 =	vsel vm10, $0x2010, v5  }
0xe: {  	v6 =	vsel vm10, $0x2810, v6;
	v7 =	vsel vm10, $0x3010, v7;
	v8 =	vsel vm10, $0x3810, v8  }
0xf: {  	v0 =	vsel vm11, $0x820, v0;
	v1 =	vnsel vm0, $0x470, v1;
	v3 =	vsel vm11, $0x1020, v3  }
0x10: {  	v4 =	vsel vm11, $0x1820, v4;
	v5 =	vsel vm11, $0x2020, v5;
	v6 =	vsel vm11, $0x2820, v6  }
0x11: {  	v7 =	vsel vm11, $0x3020, v7;
	v8 =	vsel vm11, $0x3820, v8;
	v0 =	vsel vm12, $0x830, v0  }
0x12: {  	v1 =	vsel vm15, v2, v1;
	vm15 =	vcmask $0x3B38;
	v3 =	vsel vm12, $0x1030, v3  }
0x13: {  	v4 =	vsel vm12, $0x1830, v4;
	v5 =	vsel vm12, $0x2030, v5;
	v6 =	vsel vm12, $0x2830, v6  }
0x14: {  	v7 =	vsel vm12, $0x3030, v7;
	v8 =	vsel vm12, $0x3830, v8;
	v0 =	vsel vm13, $0x840, v0  }
0x15: {  	v1 =	vsel vm6, $0x400, v1;
	v3 =	vsel vm13, $0x1040, v3;
	v4 =	vsel vm13, $0x1840, v4  }
0x16: {  	v5 =	vsel vm13, $0x2040, v5;
	v6 =	vsel vm13, $0x2840, v6;
	v7 =	vsel vm13, $0x3040, v7  }
0x17: {  	v8 =	vsel vm13, $0x3840, v8;
	v0 =	vsel vm14, $0x850, v0;
	v1 =	vsel vm5, $0x410, v1  }
0x18: {  	v3 =	vsel vm14, $0x1050, v3;
	v4 =	vsel vm14, $0x1850, v4;
	v5 =	vsel vm14, $0x2050, v5  }
0x19: {  	v6 =	vsel vm14, $0x2850, v6;
	v7 =	vsel vm14, $0x3050, v7;
	v8 =	vsel vm14, $0x3850, v8  }
0x1a: {  	v0 =	vsel vm8, $0x860, v0;
	v1 =	vsel vm4, $0x420, v1;
	v3 =	vsel vm8, $0x1060, v3  }
0x1b: {  	v4 =	vsel vm8, $0x1860, v4;
	v5 =	vsel vm8, $0x2060, v5;
	v6 =	vsel vm8, $0x2860, v6  }
0x1c: {  	v7 =	vsel vm8, $0x3060, v7;
	v8 =	vsel vm8, $0x3860, v8;
	v0 =	vsel vm7, $0x870, v0  }
0x1d: {  	v1 =	vsel vm3, $0x430, v1;
	v3 =	vsel vm7, $0x1070, v3;
	v4 =	vsel vm7, $0x1870, v4  }
0x1e: {  	v5 =	vsel vm7, $0x2070, v5;
	v6 =	vsel vm7, $0x2870, v6;
	v7 =	vsel vm7, $0x3070, v7  }
0x1f: {  	v8 =	vsel vm7, $0x3870, v8;
	v0 =	vsel vm6, $0xC00, v0;
	v1 =	vsel vm2, $0x440, v1  }
0x20: {  	v3 =	vsel vm6, $0x1400, v3;
	v4 =	vsel vm6, $0x1C00, v4;
	v5 =	vsel vm6, $0x2400, v5  }
0x21: {  	v6 =	vsel vm6, $0x2C00, v6;
	v7 =	vsel vm6, $0x3400, v7;
	v8 =	vsel vm6, $0x3C00, v8  }
0x22: {  	v0 =	vsel vm5, $0xC10, v0;
	v1 =	vsel vm1, $0x450, v1;
	v3 =	vsel vm5, $0x1410, v3  }
0x23: {  	v4 =	vsel vm5, $0x1C10, v4;
	v5 =	vsel vm5, $0x2410, v5;
	v6 =	vsel vm5, $0x2C10, v6  }
0x24: {  	v7 =	vsel vm5, $0x3410, v7;
	v8 =	vsel vm5, $0x3C10, v8;
	v0 =	vsel vm4, $0xC20, v0  }
0x25: {  	v1 =	vsel vm15, $0x460, v1;
	v3 =	vsel vm4, $0x1420, v3;
	v4 =	vsel vm4, $0x1C20, v4  }
0x26: {  	v5 =	vsel vm4, $0x2420, v5;
	v6 =	vsel vm4, $0x2C20, v6;
	v7 =	vsel vm4, $0x3420, v7  }
0x27: {  	v8 =	vsel vm4, $0x3C20, v8;
	v0 =	vsel vm3, $0xC30, v0;
	v3 =	vsel vm3, $0x1430, v3  }
0x28: {  	v4 =	vsel vm3, $0x1C30, v4;
	v5 =	vsel vm3, $0x2430, v5;
	v6 =	vsel vm3, $0x2C30, v6  }
0x29: {  	s0 =	rddreg [dreg:$0x0];
	v7 =	vsel vm3, $0x3430, v7;
	v8 =	vsel vm3, $0x3C30, v8;
	v0 =	vsel vm2, $0xC40, v0  }
0x2a: {  	s2 =	rddreg [dreg:$0x1];
	s1 =	srdreg.scid;
	s3 =	simm.s32 $0x0;
	v3 =	vsel vm2, $0x1440, v3;
	v4 =	vsel vm2, $0x1C40, v4;
	v5 =	vsel vm2, $0x2440, v5  }
0x2b: {  	s6 =	stileid.u32;
	s7 =	simm.s32 $0x3;
	s1 =	sand.u32 $0x1, s1;
	v6 =	vsel vm2, $0x2C40, v6;
	v7 =	vsel vm2, $0x3440, v7;
	v8 =	vsel vm2, $0x3C40, v8  }
0x2c: {  	s8 =	simm.s32 $0x1000;
	s9 =	simm.s32 $0x800;
	s4 =	ssub.s32 $0x2, s1;
	v2 =	vsel vm1, $0xC50, v0;
	v0 =	vimm.f32 $0.0e+00;
	v3 =	vsel vm1, $0x1450, v3  }
0x2d: {  	s10 =	simm.s32 $0x9000;
	s12 =	simm.s32 $0x2;
	s5 =	sshrl.u32 s4, $0x1;
	v4 =	vsel vm1, $0x1C50, v4;
	v5 =	vsel vm1, $0x2450, v5;
	v6 =	vsel vm1, $0x2C50, v6  }
0x2e: {  	s13 =	simm.s32 $0x0;
	[smem:$0x7FF] =	sst s3;
	s4 =	ssub.s32 s4, s5;
	v7 =	vsel vm1, $0x3450, v7;
	v8 =	vsel vm1, $0x3C50, v8;
	v2 =	vsel vm15, $0xC60, v2  }
0x2f: {  	s30 =	sshll.u32 s6, $0xA;
	s1 =	sshll.u32 s1, $0x9;
	s31 =	smax.u32 s4, $0x1;
	v3 =	vsel vm15, $0x1460, v3;
	v4 =	vsel vm15, $0x1C60, v4;
	v5 =	vsel vm15, $0x2460, v5  }
0x30: {  	_ =	strace $0x80000047;
	s5 =	sor.u32 s1, s30;
	[dreg:$0x3] =	wrdreg s31;
	v6 =	vsel vm15, $0x2C60, v6;
	v7 =	vsel vm15, $0x3460, v7;
	v8 =	vsel vm15, $0x3C60, v8  }
.LBB2_1:
0x31: {  	s15 =	simm.s32 $0xFFFF8000  }
0x32: {  	s16 =	simm.s32 $0x0;
	s17 =	simm.s32 $0x0;
	s18 =	simm.s32 $0x0  }
.LBB2_2:
0x33: {  	s1 =	sadd.s32 $0x8000, s15  }
0x34: {  	s4 =	sand.u32 $0x380, s18;
	s1 =	sand.u32 $0x4000, s1  }
0x35: {  	s14 =	sor.u32 s4, s1  }
0x36: {  	[tilespmem:s14+$0x1000] =	vst v0  }
0x37: {  	[tilespmem:s14+$0x1010] =	vst v0  }
0x38: {  	[tilespmem:s14+$0x1020] =	vst v0  }
0x39: {  	[tilespmem:s14+$0x1030] =	vst v0  }
0x3a: {  	[tilespmem:s14+$0x1040] =	vst v0  }
0x3b: {  	[tilespmem:s14+$0x1050] =	vst v0  }
0x3c: {  	[tilespmem:s14+$0x1060] =	vst v0  }
0x3d: {  	[tilespmem:s14+$0x1070] =	vst v0  }
0x3e: {  	[tilespmem:s14+$0x1400] =	vst v0  }
0x3f: {  	[tilespmem:s14+$0x1410] =	vst v0  }
0x40: {  	[tilespmem:s14+$0x1420] =	vst v0  }
0x41: {  	[tilespmem:s14+$0x1430] =	vst v0  }
0x42: {  	[tilespmem:s14+$0x1440] =	vst v0  }
0x43: {  	[tilespmem:s14+$0x1450] =	vst v0  }
0x44: {  	[tilespmem:s14+$0x1460] =	vst v0  }
0x45: {  	[tilespmem:s14+$0x1470] =	vst v0  }
0x46: {  	[tilespmem:s14+$0x1800] =	vst v0  }
0x47: {  	[tilespmem:s14+$0x1810] =	vst v0  }
0x48: {  	[tilespmem:s14+$0x1820] =	vst v0  }
0x49: {  	[tilespmem:s14+$0x1830] =	vst v0  }
0x4a: {  	[tilespmem:s14+$0x1840] =	vst v0  }
0x4b: {  	[tilespmem:s14+$0x1850] =	vst v0  }
0x4c: {  	[tilespmem:s14+$0x1860] =	vst v0  }
0x4d: {  	[tilespmem:s14+$0x1870] =	vst v0  }
0x4e: {  	[tilespmem:s14+$0x1C00] =	vst v0  }
0x4f: {  	[tilespmem:s14+$0x1C10] =	vst v0  }
0x50: {  	[tilespmem:s14+$0x1C20] =	vst v0  }
0x51: {  	[tilespmem:s14+$0x1C30] =	vst v0  }
0x52: {  	[tilespmem:s14+$0x1C40] =	vst v0  }
0x53: {  	[tilespmem:s14+$0x1C50] =	vst v0  }
0x54: {  	[tilespmem:s14+$0x1C60] =	vst v0  }
0x55: {  	[tilespmem:s14+$0x1C70] =	vst v0  }
0x56: {  	[tilespmem:s14+$0x2000] =	vst v0  }
0x57: {  	[tilespmem:s14+$0x2010] =	vst v0  }
0x58: {  	[tilespmem:s14+$0x2020] =	vst v0  }
0x59: {  	[tilespmem:s14+$0x2030] =	vst v0  }
0x5a: {  	[tilespmem:s14+$0x2040] =	vst v0  }
0x5b: {  	[tilespmem:s14+$0x2050] =	vst v0  }
0x5c: {  	[tilespmem:s14+$0x2060] =	vst v0  }
0x5d: {  	[tilespmem:s14+$0x2070] =	vst v0  }
0x5e: {  	[tilespmem:s14+$0x2400] =	vst v0  }
0x5f: {  	[tilespmem:s14+$0x2410] =	vst v0  }
0x60: {  	[tilespmem:s14+$0x2420] =	vst v0  }
0x61: {  	[tilespmem:s14+$0x2430] =	vst v0  }
0x62: {  	[tilespmem:s14+$0x2440] =	vst v0  }
0x63: {  	[tilespmem:s14+$0x2450] =	vst v0  }
0x64: {  	[tilespmem:s14+$0x2460] =	vst v0  }
0x65: {  	[tilespmem:s14+$0x2470] =	vst v0  }
0x66: {  	[tilespmem:s14+$0x2800] =	vst v0  }
0x67: {  	[tilespmem:s14+$0x2810] =	vst v0  }
0x68: {  	[tilespmem:s14+$0x2820] =	vst v0  }
0x69: {  	[tilespmem:s14+$0x2830] =	vst v0  }
0x6a: {  	[tilespmem:s14+$0x2840] =	vst v0  }
0x6b: {  	[tilespmem:s14+$0x2850] =	vst v0  }
0x6c: {  	[tilespmem:s14+$0x2860] =	vst v0  }
0x6d: {  	[tilespmem:s14+$0x2870] =	vst v0  }
0x6e: {  	[tilespmem:s14+$0x2C00] =	vst v0  }
0x6f: {  	[tilespmem:s14+$0x2C10] =	vst v0  }
0x70: {  	[tilespmem:s14+$0x2C20] =	vst v0  }
0x71: {  	[tilespmem:s14+$0x2C30] =	vst v0  }
0x72: {  	[tilespmem:s14+$0x2C40] =	vst v0  }
0x73: {  	[tilespmem:s14+$0x2C50] =	vst v0  }
0x74: {  	[tilespmem:s14+$0x2C60] =	vst v0  }
0x75: {  	[tilespmem:s14+$0x2C70] =	vst v0  }
0x76: {  	[tilespmem:s14+$0x3000] =	vst v0  }
0x77: {  	[tilespmem:s14+$0x3010] =	vst v0  }
0x78: {  	[tilespmem:s14+$0x3020] =	vst v0  }
0x79: {  	[tilespmem:s14+$0x3030] =	vst v0  }
0x7a: {  	[tilespmem:s14+$0x3040] =	vst v0  }
0x7b: {  	[tilespmem:s14+$0x3050] =	vst v0  }
0x7c: {  	[tilespmem:s14+$0x3060] =	vst v0  }
0x7d: {  	[tilespmem:s14+$0x3070] =	vst v0  }
0x7e: {  	[tilespmem:s14+$0x3400] =	vst v0  }
0x7f: {  	[tilespmem:s14+$0x3410] =	vst v0  }
0x80: {  	[tilespmem:s14+$0x3420] =	vst v0  }
0x81: {  	[tilespmem:s14+$0x3430] =	vst v0  }
0x82: {  	[tilespmem:s14+$0x3440] =	vst v0  }
0x83: {  	[tilespmem:s14+$0x3450] =	vst v0  }
0x84: {  	[tilespmem:s14+$0x3460] =	vst v0  }
0x85: {  	[tilespmem:s14+$0x3470] =	vst v0  }
0x86: {  	[tilespmem:s14+$0x3800] =	vst v0  }
0x87: {  	[tilespmem:s14+$0x3810] =	vst v0  }
0x88: {  	[tilespmem:s14+$0x3820] =	vst v0  }
0x89: {  	[tilespmem:s14+$0x3830] =	vst v0  }
0x8a: {  	[tilespmem:s14+$0x3840] =	vst v0  }
0x8b: {  	[tilespmem:s14+$0x3850] =	vst v0  }
0x8c: {  	[tilespmem:s14+$0x3860] =	vst v0  }
0x8d: {  	[tilespmem:s14+$0x3870] =	vst v0  }
0x8e: {  	[tilespmem:s14+$0x3C00] =	vst v0  }
0x8f: {  	[tilespmem:s14+$0x3C10] =	vst v0  }
0x90: {  	[tilespmem:s14+$0x3C20] =	vst v0  }
0x91: {  	[tilespmem:s14+$0x3C30] =	vst v0  }
0x92: {  	[tilespmem:s14+$0x3C40] =	vst v0  }
0x93: {  	[tilespmem:s14+$0x3C50] =	vst v0  }
0x94: {  	[tilespmem:s14+$0x3C60] =	vst v0  }
0x95: {  	[tilespmem:s14+$0x3C70] =	vst v0  }
0x96: {  	[tilespmem:s14+$0x4000] =	vst v0  }
0x97: {  	[tilespmem:s14+$0x4010] =	vst v0  }
0x98: {  	[tilespmem:s14+$0x4020] =	vst v0  }
0x99: {  	[tilespmem:s14+$0x4030] =	vst v0  }
0x9a: {  	[tilespmem:s14+$0x4040] =	vst v0  }
0x9b: {  	[tilespmem:s14+$0x4050] =	vst v0  }
0x9c: {  	[tilespmem:s14+$0x4060] =	vst v0  }
0x9d: {  	[tilespmem:s14+$0x4070] =	vst v0  }
0x9e: {  	[tilespmem:s14+$0x4400] =	vst v0  }
0x9f: {  	[tilespmem:s14+$0x4410] =	vst v0  }
0xa0: {  	[tilespmem:s14+$0x4420] =	vst v0  }
0xa1: {  	[tilespmem:s14+$0x4430] =	vst v0  }
0xa2: {  	s31 =	sand.u32 $0x7, s16;
	[tilespmem:s14+$0x4440] =	vst v0  }
0xa3: {  	s1 =	sshll.u32 s31, $0x7;
	[tilespmem:s14+$0x4450] =	vst v0  }
0xa4: {  	s4 =	sadd.s32 s1, s17;
	[tilespmem:s14+$0x4460] =	vst v0  }
0xa5: {  	[tilespmem:s14+$0x4470] =	vst v0;
	s19 =	sor.u32 $0x3800, s4  }
0xa6: {  	s20 =	sor.u32 $0x3810, s4;
	[tilespmem:s19+$0x1000] =	vst v0  }
0xa7: {  	s21 =	sor.u32 $0x3820, s4;
	[tilespmem:s20+$0x1000] =	vst v0  }
0xa8: {  	s22 =	sor.u32 $0x3830, s4;
	[tilespmem:s21+$0x1000] =	vst v0  }
0xa9: {  	s23 =	sor.u32 $0x3840, s4;
	[tilespmem:s22+$0x1000] =	vst v0  }
0xaa: {  	s24 =	sor.u32 $0x3850, s4;
	[tilespmem:s23+$0x1000] =	vst v0  }
0xab: {  	s25 =	sor.u32 $0x3860, s4;
	[tilespmem:s24+$0x1000] =	vst v0  }
0xac: {  	s26 =	sor.u32 $0x3870, s4;
	[tilespmem:s25+$0x1000] =	vst v0  }
0xad: {  	s28 =	sor.u32 $0x3C00, s4;
	[tilespmem:s26+$0x1000] =	vst v0  }
0xae: {  	s29 =	sor.u32 $0x3C10, s4;
	[tilespmem:s28+$0x1000] =	vst v0  }
0xaf: {  	s30 =	sor.u32 $0x3C20, s4;
	[tilespmem:s29+$0x1000] =	vst v0  }
0xb0: {  	s31 =	sor.u32 $0x3C30, s4;
	[tilespmem:s30+$0x1000] =	vst v0  }
0xb1: {  	s1 =	sor.u32 $0x3C40, s4;
	[tilespmem:s31+$0x1000] =	vst v0  }
0xb2: {  	s6 =	sor.u32 $0x3C50, s4;
	[tilespmem:s1+$0x1000] =	vst v0  }
0xb3: {  	s11 =	sor.u32 $0x3C60, s4;
	[tilespmem:s6+$0x1000] =	vst v0  }
0xb4: {  	s4 =	sor.u32 $0x3C70, s4;
	[tilespmem:s11+$0x1000] =	vst v0  }
0xb5: {  	[tilespmem:s4+$0x1000] =	vst v0  }
0xb6: {  	[tilespmem:s14+$0x9000] =	vst v0  }
0xb7: {  	[tilespmem:s14+$0x9010] =	vst v0  }
0xb8: {  	[tilespmem:s14+$0x9020] =	vst v0  }
0xb9: {  	[tilespmem:s14+$0x9030] =	vst v0  }
0xba: {  	[tilespmem:s14+$0x9040] =	vst v0  }
0xbb: {  	[tilespmem:s14+$0x9050] =	vst v0  }
0xbc: {  	[tilespmem:s14+$0x9060] =	vst v0  }
0xbd: {  	[tilespmem:s14+$0x9070] =	vst v0  }
0xbe: {  	[tilespmem:s14+$0x9400] =	vst v0  }
0xbf: {  	[tilespmem:s14+$0x9410] =	vst v0  }
0xc0: {  	[tilespmem:s14+$0x9420] =	vst v0  }
0xc1: {  	[tilespmem:s14+$0x9430] =	vst v0  }
0xc2: {  	[tilespmem:s14+$0x9440] =	vst v0  }
0xc3: {  	[tilespmem:s14+$0x9450] =	vst v0  }
0xc4: {  	[tilespmem:s14+$0x9460] =	vst v0  }
0xc5: {  	[tilespmem:s14+$0x9470] =	vst v0  }
0xc6: {  	[tilespmem:s14+$0x9800] =	vst v0  }
0xc7: {  	[tilespmem:s14+$0x9810] =	vst v0  }
0xc8: {  	[tilespmem:s14+$0x9820] =	vst v0  }
0xc9: {  	[tilespmem:s14+$0x9830] =	vst v0  }
0xca: {  	[tilespmem:s14+$0x9840] =	vst v0  }
0xcb: {  	[tilespmem:s14+$0x9850] =	vst v0  }
0xcc: {  	[tilespmem:s14+$0x9860] =	vst v0  }
0xcd: {  	[tilespmem:s14+$0x9870] =	vst v0  }
0xce: {  	[tilespmem:s14+$0x9C00] =	vst v0  }
0xcf: {  	[tilespmem:s14+$0x9C10] =	vst v0  }
0xd0: {  	[tilespmem:s14+$0x9C20] =	vst v0  }
0xd1: {  	[tilespmem:s14+$0x9C30] =	vst v0  }
0xd2: {  	[tilespmem:s14+$0x9C40] =	vst v0  }
0xd3: {  	[tilespmem:s14+$0x9C50] =	vst v0  }
0xd4: {  	[tilespmem:s14+$0x9C60] =	vst v0  }
0xd5: {  	[tilespmem:s14+$0x9C70] =	vst v0  }
0xd6: {  	[tilespmem:s14+$0xA000] =	vst v0  }
0xd7: {  	[tilespmem:s14+$0xA010] =	vst v0  }
0xd8: {  	[tilespmem:s14+$0xA020] =	vst v0  }
0xd9: {  	[tilespmem:s14+$0xA030] =	vst v0  }
0xda: {  	[tilespmem:s14+$0xA040] =	vst v0  }
0xdb: {  	[tilespmem:s14+$0xA050] =	vst v0  }
0xdc: {  	[tilespmem:s14+$0xA060] =	vst v0  }
0xdd: {  	[tilespmem:s14+$0xA070] =	vst v0  }
0xde: {  	[tilespmem:s14+$0xA400] =	vst v0  }
0xdf: {  	[tilespmem:s14+$0xA410] =	vst v0  }
0xe0: {  	[tilespmem:s14+$0xA420] =	vst v0  }
0xe1: {  	[tilespmem:s14+$0xA430] =	vst v0  }
0xe2: {  	[tilespmem:s14+$0xA440] =	vst v0  }
0xe3: {  	[tilespmem:s14+$0xA450] =	vst v0  }
0xe4: {  	[tilespmem:s14+$0xA460] =	vst v0  }
0xe5: {  	[tilespmem:s14+$0xA470] =	vst v0  }
0xe6: {  	[tilespmem:s14+$0xA800] =	vst v0  }
0xe7: {  	[tilespmem:s14+$0xA810] =	vst v0  }
0xe8: {  	[tilespmem:s14+$0xA820] =	vst v0  }
0xe9: {  	[tilespmem:s14+$0xA830] =	vst v0  }
0xea: {  	[tilespmem:s14+$0xA840] =	vst v0  }
0xeb: {  	[tilespmem:s14+$0xA850] =	vst v0  }
0xec: {  	[tilespmem:s14+$0xA860] =	vst v0  }
0xed: {  	[tilespmem:s14+$0xA870] =	vst v0  }
0xee: {  	[tilespmem:s14+$0xAC00] =	vst v0  }
0xef: {  	[tilespmem:s14+$0xAC10] =	vst v0  }
0xf0: {  	[tilespmem:s14+$0xAC20] =	vst v0  }
0xf1: {  	[tilespmem:s14+$0xAC30] =	vst v0  }
0xf2: {  	[tilespmem:s14+$0xAC40] =	vst v0  }
0xf3: {  	[tilespmem:s14+$0xAC50] =	vst v0  }
0xf4: {  	[tilespmem:s14+$0xAC60] =	vst v0  }
0xf5: {  	[tilespmem:s14+$0xAC70] =	vst v0  }
0xf6: {  	[tilespmem:s14+$0xB000] =	vst v0  }
0xf7: {  	[tilespmem:s14+$0xB010] =	vst v0  }
0xf8: {  	[tilespmem:s14+$0xB020] =	vst v0  }
0xf9: {  	[tilespmem:s14+$0xB030] =	vst v0  }
0xfa: {  	[tilespmem:s14+$0xB040] =	vst v0  }
0xfb: {  	[tilespmem:s14+$0xB050] =	vst v0  }
0xfc: {  	[tilespmem:s14+$0xB060] =	vst v0  }
0xfd: {  	[tilespmem:s14+$0xB070] =	vst v0  }
0xfe: {  	[tilespmem:s14+$0xB400] =	vst v0  }
0xff: {  	[tilespmem:s14+$0xB410] =	vst v0  }
0x100: {  	[tilespmem:s14+$0xB420] =	vst v0  }
0x101: {  	[tilespmem:s14+$0xB430] =	vst v0  }
0x102: {  	[tilespmem:s14+$0xB440] =	vst v0  }
0x103: {  	[tilespmem:s14+$0xB450] =	vst v0  }
0x104: {  	[tilespmem:s14+$0xB460] =	vst v0  }
0x105: {  	[tilespmem:s14+$0xB470] =	vst v0  }
0x106: {  	[tilespmem:s14+$0xB800] =	vst v0  }
0x107: {  	[tilespmem:s14+$0xB810] =	vst v0  }
0x108: {  	[tilespmem:s14+$0xB820] =	vst v0  }
0x109: {  	[tilespmem:s14+$0xB830] =	vst v0  }
0x10a: {  	[tilespmem:s14+$0xB840] =	vst v0  }
0x10b: {  	[tilespmem:s14+$0xB850] =	vst v0  }
0x10c: {  	[tilespmem:s14+$0xB860] =	vst v0  }
0x10d: {  	[tilespmem:s14+$0xB870] =	vst v0  }
0x10e: {  	[tilespmem:s14+$0xBC00] =	vst v0  }
0x10f: {  	[tilespmem:s14+$0xBC10] =	vst v0  }
0x110: {  	[tilespmem:s14+$0xBC20] =	vst v0  }
0x111: {  	[tilespmem:s14+$0xBC30] =	vst v0  }
0x112: {  	[tilespmem:s14+$0xBC40] =	vst v0  }
0x113: {  	[tilespmem:s14+$0xBC50] =	vst v0  }
0x114: {  	[tilespmem:s14+$0xBC60] =	vst v0  }
0x115: {  	[tilespmem:s14+$0xBC70] =	vst v0  }
0x116: {  	[tilespmem:s14+$0xC000] =	vst v0  }
0x117: {  	[tilespmem:s14+$0xC010] =	vst v0  }
0x118: {  	[tilespmem:s14+$0xC020] =	vst v0  }
0x119: {  	[tilespmem:s14+$0xC030] =	vst v0  }
0x11a: {  	[tilespmem:s14+$0xC040] =	vst v0  }
0x11b: {  	[tilespmem:s14+$0xC050] =	vst v0  }
0x11c: {  	[tilespmem:s14+$0xC060] =	vst v0  }
0x11d: {  	[tilespmem:s14+$0xC070] =	vst v0  }
0x11e: {  	[tilespmem:s14+$0xC400] =	vst v0  }
0x11f: {  	[tilespmem:s14+$0xC410] =	vst v0  }
0x120: {  	[tilespmem:s14+$0xC420] =	vst v0  }
0x121: {  	[tilespmem:s14+$0xC430] =	vst v0  }
0x122: {  	[tilespmem:s14+$0xC440] =	vst v0  }
0x123: {  	[tilespmem:s14+$0xC450] =	vst v0  }
0x124: {  	[tilespmem:s14+$0xC460] =	vst v0  }
0x125: {  	[tilespmem:s14+$0xC470] =	vst v0  }
0x126: {  	[tilespmem:s19+$0x9000] =	vst v0  }
0x127: {  	[tilespmem:s20+$0x9000] =	vst v0  }
0x128: {  	[tilespmem:s21+$0x9000] =	vst v0  }
0x129: {  	[tilespmem:s22+$0x9000] =	vst v0  }
0x12a: {  	[tilespmem:s23+$0x9000] =	vst v0  }
0x12b: {  	[tilespmem:s24+$0x9000] =	vst v0  }
0x12c: {  	[tilespmem:s25+$0x9000] =	vst v0  }
0x12d: {  	[tilespmem:s26+$0x9000] =	vst v0  }
0x12e: {  	[tilespmem:s28+$0x9000] =	vst v0  }
0x12f: {  	[tilespmem:s29+$0x9000] =	vst v0  }
0x130: {  	p0 =	sne.s32 s18, $0x780;
	[tilespmem:s30+$0x9000] =	vst v0  }
.Ltmp0:
0x131: {  	[tilespmem:s31+$0x9000] =	vst v0;
	(pc) =	sbr.rel @p0 .LBB2_2-.Ltmp0, $4  }
0x132: {  	[tilespmem:s1+$0x9000] =	vst v0  }
0x133: {  	[tilespmem:s6+$0x9000] =	vst v0  }
0x134: {  	s16 =	sadd.s32 $0x1, s16;
	s15 =	sadd.s32 $0x800, s15;
	[tilespmem:s11+$0x9000] =	vst v0  }
0x135: {  	s18 =	sadd.s32 $0x80, s18;
	s17 =	sadd.s32 $0x800, s17;
	s14 =	simm.s32 $0x0;
	[tilespmem:s4+$0x9000] =	vst v0  }
0x136: {  	s15 =	simm.s32 $0x0  }
.LBB2_4:
0x137: {  	p0 =	seq.s32 s15, $0x0  }
0x138: {  	s1 =	sshll.u32 s15, $0x5;
	s4 =	simm.s32 @!p0 $0x1  }
0x139: {  	s16 =	sor.u32 s5, s1;
	_ =	swait.ge @!p0 [sflag:s4], $0x8000  }
0x13a: {  	s1 =	sshll.u32 s16, $0x4;
	[sflag:s4] =	ssyncset.done @!p0 $0x0  }
0x13b: {  	s1 =	sadd.s32 s0, s1;
	[sflag:s4] =	ssyncadd.s32 @!p0 $0xFFFF8000  }
0x13c: {  	v9 =	vmov s14;
	[tilespmem:s14], [sflag:$0x3] =	stream.linear.gather [hbm4b:s1+s14], $0x800, $0x38;
	[tilespmem:$0x11000] =	vst v63  }
0x13d: {  	v10 =	vshll.u32 v9, $0xB;
	v9 =	vshll.u32 v9, $0x7;
	_ =	swait.ge [sflag:s7], $0x800  }
0x13e: {  	v11 =	vand.u32 $0x4000, v10;
	v9 =	vand.u32 $0x380, v9;
	[sflag:s7] =	ssyncset.done $0x0  }
0x13f: {  	v11 =	vor.u32 v11, v9;
	s1 =	simm.s32 $0x40;
	[sflag:s7] =	ssyncadd.s32 $0xFFFFF800  }
0x140: {  	v13 =	vor.u32 v1, v11;
	v12 =	vld [tilespmem:s1+$0xFFFFFFC0];
	_ =	sdelay $0x4  }
0x141: {  	[tilespmem:v13+s8+$0x0] =	vst.idx.msk $0xffff, v12  }
0x142: {  	v59 =	vor.u32 v2, v11;
	v12 =	vld [tilespmem:s1+$0xFFFFFFD0];
	_ =	sdelay $0x4  }
0x143: {  	[tilespmem:v59+s8+$0x0] =	vst.idx.msk $0xffff, v12  }
0x144: {  	v60 =	vor.u32 v3, v11;
	v12 =	vld [tilespmem:s1+$0xFFFFFFE0];
	_ =	sdelay $0x4  }
0x145: {  	[tilespmem:v60+s8+$0x0] =	vst.idx.msk $0xffff, v12  }
0x146: {  	v61 =	vor.u32 v4, v11;
	v12 =	vld [tilespmem:s1+$0xFFFFFFF0];
	_ =	sdelay $0x4  }
0x147: {  	[tilespmem:v61+s8+$0x0] =	vst.idx.msk $0xffff, v12  }
0x148: {  	v62 =	vor.u32 v5, v11;
	v12 =	vld [tilespmem:s1+$0x0];
	_ =	sdelay $0x4  }
0x149: {  	[tilespmem:v62+s8+$0x0] =	vst.idx.msk $0xffff, v12  }
0x14a: {  	v63 =	vor.u32 v6, v11;
	v12 =	vld [tilespmem:s1+$0x10];
	_ =	sdelay $0x4  }
0x14b: {  	[tilespmem:v63+s8+$0x0] =	vst.idx.msk $0xffff, v12  }
0x14c: {  	v11 =	vor.u32 v7, v11;
	v12 =	vld [tilespmem:s1+$0x20];
	_ =	sdelay $0x4  }
0x14d: {  	v10 =	vor.u32 v9, v10;
	[tilespmem:v11+s8+$0x0] =	vst.idx.msk $0xffff, v12  }
0x14e: {  	v10 =	vor.u32 v8, v10;
	v9 =	vld [tilespmem:s1+$0x30]  }
0x14f: {  	s31 =	simm.s32 $0x1  }
0x150: {  	s4 =	simm.s32 $0x2;
	v11 =	vmov s31  }
.LBB2_5:
0x151: {  	p1 =	sne.s32 s4, $0xF;
	v12 =	vshll.u32 v11, $0xB;
	v11 =	vshll.u32 v11, $0x7  }
0x152: {  	v13 =	vand.u32 $0x4000, v12;
	v11 =	vand.u32 $0x380, v11  }
0x153: {  	s1 =	sadd.s32 $0x80, s1;
	v13 =	vor.u32 v13, v11;
	[tilespmem:v10+s8+$0x0] =	vst.idx.msk $0xffff, v9  }
0x154: {  	v9 =	vld [tilespmem:s1+$0xFFFFFFC0];
	v10 =	vor.u32 v1, v13;
	_ =	sdelay $0x4  }
0x155: {  	[tilespmem:v10+s8+$0x0] =	vst.idx.msk $0xffff, v9  }
0x156: {  	v10 =	vor.u32 v2, v13;
	v9 =	vld [tilespmem:s1+$0xFFFFFFD0];
	_ =	sdelay $0x4  }
0x157: {  	[tilespmem:v10+s8+$0x0] =	vst.idx.msk $0xffff, v9  }
0x158: {  	v10 =	vor.u32 v3, v13;
	v9 =	vld [tilespmem:s1+$0xFFFFFFE0];
	_ =	sdelay $0x4  }
0x159: {  	[tilespmem:v10+s8+$0x0] =	vst.idx.msk $0xffff, v9  }
0x15a: {  	v10 =	vor.u32 v4, v13;
	v9 =	vld [tilespmem:s1+$0xFFFFFFF0];
	_ =	sdelay $0x4  }
0x15b: {  	[tilespmem:v10+s8+$0x0] =	vst.idx.msk $0xffff, v9  }
0x15c: {  	v10 =	vor.u32 v5, v13;
	v9 =	vld [tilespmem:s1+$0x0];
	_ =	sdelay $0x4  }
0x15d: {  	[tilespmem:v10+s8+$0x0] =	vst.idx.msk $0xffff, v9  }
0x15e: {  	v10 =	vor.u32 v6, v13;
	v9 =	vld [tilespmem:s1+$0x10];
	_ =	sdelay $0x4  }
0x15f: {  	[tilespmem:v10+s8+$0x0] =	vst.idx.msk $0xffff, v9  }
0x160: {  	v10 =	vor.u32 v7, v13;
	v9 =	vld [tilespmem:s1+$0x20];
	_ =	sdelay $0x3  }
.Ltmp1:
0x161: {  	(pc) =	sbr.rel @p1 .LBB2_5-.Ltmp1, $3  }
0x162: {  	[tilespmem:v10+s8+$0x0] =	vst.idx.msk $0xffff, v9;
	v10 =	vor.u32 v11, v12  }
0x163: {  	v9 =	vld [tilespmem:s1+$0x30];
	v10 =	vor.u32 v8, v10;
	_ =	sdelay $0x1  }
0x164: {  	v11 =	vmov s4;
	s4 =	sadd.s32 $0x1, s4  }
0x165: {  	_ =	sdelay $0x1  }
0x166: {  	v12 =	vshll.u32 v11, $0xB;
	v11 =	vshll.u32 v11, $0x7  }
0x167: {  	v13 =	vand.u32 $0x4000, v12;
	v11 =	vand.u32 $0x380, v11  }
0x168: {  	s1 =	sadd.s32 $0x80, s1;
	v13 =	vor.u32 v13, v11;
	[tilespmem:v10+s8+$0x0] =	vst.idx.msk $0xffff, v9  }
0x169: {  	v9 =	vld [tilespmem:s1+$0xFFFFFFC0];
	v10 =	vor.u32 v1, v13;
	_ =	sdelay $0x4  }
0x16a: {  	[tilespmem:v10+s8+$0x0] =	vst.idx.msk $0xffff, v9  }
0x16b: {  	v10 =	vor.u32 v2, v13;
	v9 =	vld [tilespmem:s1+$0xFFFFFFD0];
	_ =	sdelay $0x4  }
0x16c: {  	[tilespmem:v10+s8+$0x0] =	vst.idx.msk $0xffff, v9  }
0x16d: {  	v10 =	vor.u32 v3, v13;
	v9 =	vld [tilespmem:s1+$0xFFFFFFE0];
	_ =	sdelay $0x4  }
0x16e: {  	[tilespmem:v10+s8+$0x0] =	vst.idx.msk $0xffff, v9  }
0x16f: {  	v10 =	vor.u32 v4, v13;
	v9 =	vld [tilespmem:s1+$0xFFFFFFF0];
	_ =	sdelay $0x4  }
0x170: {  	[tilespmem:v10+s8+$0x0] =	vst.idx.msk $0xffff, v9  }
0x171: {  	v10 =	vor.u32 v5, v13;
	v9 =	vld [tilespmem:s1+$0x0];
	_ =	sdelay $0x4  }
0x172: {  	[tilespmem:v10+s8+$0x0] =	vst.idx.msk $0xffff, v9  }
0x173: {  	v10 =	vor.u32 v6, v13;
	v9 =	vld [tilespmem:s1+$0x10];
	_ =	sdelay $0x4  }
0x174: {  	[tilespmem:v10+s8+$0x0] =	vst.idx.msk $0xffff, v9  }
0x175: {  	v10 =	vor.u32 v7, v13;
	v9 =	vld [tilespmem:s1+$0x20];
	_ =	sdelay $0x4  }
0x176: {  	[tilespmem:v10+s8+$0x0] =	vst.idx.msk $0xffff, v9;
	v9 =	vor.u32 v11, v12  }
0x177: {  	v10 =	vld [tilespmem:s1+$0x30];
	v9 =	vor.u32 v8, v9;
	_ =	sdelay $0x3  }
0x178: {  	s28 =	sshll.u32 s16, $0x8  }
0x179: {  	s1 =	sadd.s32 s2, s28;
	[tilespmem:v9+s8+$0x0] =	vst.idx.msk $0xffff, v10  }
0x17a: {  	[hbm4b:s1+s3] =	stream.linear.scatter [tilespmem:s8], [sflag:$0x1], $0x8000, $0x38;
	[tilespmem:$0x11000] =	vst v63  }
0x17b: {  	s1 =	simm.s32 @!p0 $0x2  }
0x17c: {  	s16 =	sor.u32 $0x10, s16;
	_ =	swait.ge @!p0 [sflag:s1], $0x8000  }
0x17d: {  	s4 =	sshll.u32 s16, $0x4;
	[sflag:s1] =	ssyncset.done @!p0 $0x0  }
0x17e: {  	s30 =	simm.s32 $0x0;
	s29 =	sadd.s32 s0, s4;
	[sflag:s1] =	ssyncadd.s32 @!p0 $0xFFFF8000  }
0x17f: {  	v9 =	vmov s30;
	[tilespmem:s9], [sflag:$0x3] =	stream.linear.gather [hbm4b:s29+s30], $0x800, $0x38;
	[tilespmem:$0x11000] =	vst v63  }
0x180: {  	v10 =	vshll.u32 v9, $0xB;
	v9 =	vshll.u32 v9, $0x7;
	_ =	swait.ge [sflag:s7], $0x800  }
0x181: {  	v11 =	vand.u32 $0x4000, v10;
	v9 =	vand.u32 $0x380, v9;
	[sflag:s7] =	ssyncset.done $0x0  }
0x182: {  	v11 =	vor.u32 v11, v9;
	s1 =	simm.s32 $0x840;
	[sflag:s7] =	ssyncadd.s32 $0xFFFFF800  }
0x183: {  	v58 =	vor.u32 v1, v11;
	v57 =	vld [tilespmem:s1+$0xFFFFFFC0];
	_ =	sdelay $0x4  }
0x184: {  	[tilespmem:v58+s10+$0x0] =	vst.idx.msk $0xffff, v57  }
0x185: {  	v59 =	vor.u32 v2, v11;
	v12 =	vld [tilespmem:s1+$0xFFFFFFD0];
	_ =	sdelay $0x4  }
0x186: {  	[tilespmem:v59+s10+$0x0] =	vst.idx.msk $0xffff, v12  }
0x187: {  	v60 =	vor.u32 v3, v11;
	v12 =	vld [tilespmem:s1+$0xFFFFFFE0];
	_ =	sdelay $0x4  }
0x188: {  	[tilespmem:v60+s10+$0x0] =	vst.idx.msk $0xffff, v12  }
0x189: {  	v61 =	vor.u32 v4, v11;
	v12 =	vld [tilespmem:s1+$0xFFFFFFF0];
	_ =	sdelay $0x4  }
0x18a: {  	[tilespmem:v61+s10+$0x0] =	vst.idx.msk $0xffff, v12  }
0x18b: {  	v62 =	vor.u32 v5, v11;
	v12 =	vld [tilespmem:s1+$0x0];
	_ =	sdelay $0x4  }
0x18c: {  	[tilespmem:v62+s10+$0x0] =	vst.idx.msk $0xffff, v12  }
0x18d: {  	v63 =	vor.u32 v6, v11;
	v12 =	vld [tilespmem:s1+$0x10];
	_ =	sdelay $0x4  }
0x18e: {  	[tilespmem:v63+s10+$0x0] =	vst.idx.msk $0xffff, v12  }
0x18f: {  	v11 =	vor.u32 v7, v11;
	v12 =	vld [tilespmem:s1+$0x20];
	_ =	sdelay $0x4  }
0x190: {  	v10 =	vor.u32 v9, v10;
	[tilespmem:v11+s10+$0x0] =	vst.idx.msk $0xffff, v12  }
0x191: {  	v10 =	vor.u32 v8, v10;
	v9 =	vld [tilespmem:s1+$0x30]  }
0x192: {  	s31 =	simm.s32 $0x1  }
0x193: {  	s4 =	simm.s32 $0x2;
	v11 =	vmov s31  }
.LBB2_7:
0x194: {  	p0 =	sne.s32 s4, $0xF;
	v12 =	vshll.u32 v11, $0xB;
	v11 =	vshll.u32 v11, $0x7  }
0x195: {  	v13 =	vand.u32 $0x4000, v12;
	v11 =	vand.u32 $0x380, v11  }
0x196: {  	s1 =	sadd.s32 $0x80, s1;
	v13 =	vor.u32 v13, v11;
	[tilespmem:v10+s10+$0x0] =	vst.idx.msk $0xffff, v9  }
0x197: {  	v9 =	vld [tilespmem:s1+$0xFFFFFFC0];
	v10 =	vor.u32 v1, v13;
	_ =	sdelay $0x4  }
0x198: {  	[tilespmem:v10+s10+$0x0] =	vst.idx.msk $0xffff, v9  }
0x199: {  	v10 =	vor.u32 v2, v13;
	v9 =	vld [tilespmem:s1+$0xFFFFFFD0];
	_ =	sdelay $0x4  }
0x19a: {  	[tilespmem:v10+s10+$0x0] =	vst.idx.msk $0xffff, v9  }
0x19b: {  	v10 =	vor.u32 v3, v13;
	v9 =	vld [tilespmem:s1+$0xFFFFFFE0];
	_ =	sdelay $0x4  }
0x19c: {  	[tilespmem:v10+s10+$0x0] =	vst.idx.msk $0xffff, v9  }
0x19d: {  	v10 =	vor.u32 v4, v13;
	v9 =	vld [tilespmem:s1+$0xFFFFFFF0];
	_ =	sdelay $0x4  }
0x19e: {  	[tilespmem:v10+s10+$0x0] =	vst.idx.msk $0xffff, v9  }
0x19f: {  	v10 =	vor.u32 v5, v13;
	v9 =	vld [tilespmem:s1+$0x0];
	_ =	sdelay $0x4  }
0x1a0: {  	[tilespmem:v10+s10+$0x0] =	vst.idx.msk $0xffff, v9  }
0x1a1: {  	v10 =	vor.u32 v6, v13;
	v9 =	vld [tilespmem:s1+$0x10];
	_ =	sdelay $0x4  }
0x1a2: {  	[tilespmem:v10+s10+$0x0] =	vst.idx.msk $0xffff, v9  }
0x1a3: {  	v10 =	vor.u32 v7, v13;
	v9 =	vld [tilespmem:s1+$0x20];
	_ =	sdelay $0x3  }
.Ltmp2:
0x1a4: {  	(pc) =	sbr.rel @p0 .LBB2_7-.Ltmp2, $3  }
0x1a5: {  	[tilespmem:v10+s10+$0x0] =	vst.idx.msk $0xffff, v9;
	v10 =	vor.u32 v11, v12  }
0x1a6: {  	v9 =	vld [tilespmem:s1+$0x30];
	v10 =	vor.u32 v8, v10;
	_ =	sdelay $0x1  }
0x1a7: {  	v11 =	vmov s4;
	s4 =	sadd.s32 $0x1, s4  }
0x1a8: {  	_ =	sdelay $0x1  }
0x1a9: {  	v12 =	vshll.u32 v11, $0xB;
	v11 =	vshll.u32 v11, $0x7  }
0x1aa: {  	v13 =	vand.u32 $0x4000, v12;
	v11 =	vand.u32 $0x380, v11  }
0x1ab: {  	s1 =	sadd.s32 $0x80, s1;
	v13 =	vor.u32 v13, v11;
	[tilespmem:v10+s10+$0x0] =	vst.idx.msk $0xffff, v9  }
0x1ac: {  	v9 =	vld [tilespmem:s1+$0xFFFFFFC0];
	v10 =	vor.u32 v1, v13;
	_ =	sdelay $0x4  }
0x1ad: {  	[tilespmem:v10+s10+$0x0] =	vst.idx.msk $0xffff, v9  }
0x1ae: {  	v10 =	vor.u32 v2, v13;
	v9 =	vld [tilespmem:s1+$0xFFFFFFD0];
	_ =	sdelay $0x4  }
0x1af: {  	[tilespmem:v10+s10+$0x0] =	vst.idx.msk $0xffff, v9  }
0x1b0: {  	v10 =	vor.u32 v3, v13;
	v9 =	vld [tilespmem:s1+$0xFFFFFFE0];
	_ =	sdelay $0x4  }
0x1b1: {  	[tilespmem:v10+s10+$0x0] =	vst.idx.msk $0xffff, v9  }
0x1b2: {  	v10 =	vor.u32 v4, v13;
	v9 =	vld [tilespmem:s1+$0xFFFFFFF0];
	_ =	sdelay $0x4  }
0x1b3: {  	[tilespmem:v10+s10+$0x0] =	vst.idx.msk $0xffff, v9  }
0x1b4: {  	v10 =	vor.u32 v5, v13;
	v9 =	vld [tilespmem:s1+$0x0];
	_ =	sdelay $0x4  }
0x1b5: {  	[tilespmem:v10+s10+$0x0] =	vst.idx.msk $0xffff, v9  }
0x1b6: {  	v10 =	vor.u32 v6, v13;
	v9 =	vld [tilespmem:s1+$0x10];
	_ =	sdelay $0x4  }
0x1b7: {  	[tilespmem:v10+s10+$0x0] =	vst.idx.msk $0xffff, v9  }
0x1b8: {  	v10 =	vor.u32 v7, v13;
	v9 =	vld [tilespmem:s1+$0x20];
	_ =	sdelay $0x4  }
0x1b9: {  	[tilespmem:v10+s10+$0x0] =	vst.idx.msk $0xffff, v9;
	v9 =	vor.u32 v11, v12  }
0x1ba: {  	s15 =	sadd.s32 $0x1, s15;
	v10 =	vld [tilespmem:s1+$0x30];
	v9 =	vor.u32 v8, v9  }
0x1bb: {  	p0 =	sne.s32 s15, $0x10  }
.Ltmp3:
0x1bc: {  	_ = 	snop;
	(pc) =	sbr.rel @p0 .LBB2_4-.Ltmp3, $4  }
0x1bd: {  	_ = 	snop  }
0x1be: {  	s31 =	sshll.u32 s16, $0x8  }
0x1bf: {  	s1 =	sadd.s32 s2, s31;
	[tilespmem:v9+s10+$0x0] =	vst.idx.msk $0xffff, v10  }
0x1c0: {  	[hbm4b:s1+s3] =	stream.linear.scatter [tilespmem:s10], [sflag:$0x2], $0x8000, $0x38;
	[tilespmem:$0x11000] =	vst v63  }
0x1c1: {  	s1 =	simm.s32 $0x1  }
0x1c2: {  	_ =	swait.ge [sflag:s1], $0x8000  }
0x1c3: {  	[sflag:s1] =	ssyncset.done $0x0  }
0x1c4: {  	[sflag:s1] =	ssyncadd.s32 $0xFFFF8000  }
0x1c5: {  	_ =	swait.ge [sflag:s12], $0x8000  }
0x1c6: {  	s13 =	sadd.s32 $0x1, s13;
	s31 =	rddreg [dreg:$0x3]  }
0x1c7: {  	p0 =	sne.s32 s13, s31  }
.Ltmp4:
0x1c8: {  	_ = 	snop;
	(pc) =	sbr.rel @p0 .LBB2_1-.Ltmp4, $3  }
0x1c9: {  	_ =	sdelay $0x1  }
0x1ca: {  	[sflag:s12] =	ssyncset.done $0x0  }
0x1cb: {  	[sflag:s12] =	ssyncadd.s32 $0xFFFF8000  }
0x1cc: {  	_ =	sfence.sel $0x180000  }
0x1cd: {  	[bflag:$0x0] =	sbarrier.arrive $0xFFFF  }
0x1ce: {  	_ =	strace $0x90000047  }
0x1cf: {  	s0 =	stileid.u32;
	[bflag:$0x2] =	sbarrier.arrive $0xFFFF  }
0x1d0: {  	p0 =	sne.s32 s0, $0x0;
	s0 =	rddreg [dreg:$0x2]  }
0x1d1: {  	s0 =	sadd.s32 @!p0 $0x100000, s0  }
0x1d2: {  	[sflag:s0] =	ssyncadd.tile.s32 @!p0 $0x1;
	_ =	shalt  }
.Lfunc_end2:
_tile_overlayer_lowered:
.L_overlay_start_2:
0x1d3: {  	(tag) =	ssettag $0x2  }
0x1d4: {  	s0 =	rddreg [dreg:$0x0];
	s2 =	stileid.u32  }
0x1d5: {  	s1 =	rddreg [dreg:$0x1];
	p0 =	sne.s32 s2, $0x0  }
0x1d6: {  	s3 =	rddreg [dreg:$0x2];
	[bflag:$0x3] =	sbarrier.arrive $0xFFFF;
	s2 =	simm.s32 @!p0 $0x1C03  }
0x1d7: {  	[timem:s3], [sflag:s2] =	dma.local @!p0 [hbm:s0], s1  }
0x1d8: {  	s0 =	simm.s32 @!p0 $0x3  }
0x1d9: {  	_ =	swait.ge @!p0 [sflag:s0], s1  }
0x1da: {  	s1 =	ssub.s32 @!p0 $0x0, s1;
	[sflag:s0] =	ssyncset.done @!p0 $0x0  }
0x1db: {  	[sflag:s0] =	ssyncadd.s32 @!p0 s1  }
0x1dc: {  	[bflag:$0x3] =	sbarrier.arrive $0xFFFF  }
0x1dd: {  	_ =	shalt  }

</sc_bundles>
